<compile_context>
chip_gen: v7x
topology: tpu7x:2x2x1
jax: 0.10.2.dev20260603
libtpu: 0.0.44.dev20260713+nightly
codegen_flags: <defaults>
</compile_context>

<pallas_src>
import functools

import jax
import jax.numpy as jnp
from jax import lax
from jax.experimental import pallas as pl
from jax.experimental.pallas import tpu as pltpu
from jax.experimental.pallas import tpu_sc as plsc

B = 4096
P = 128
NPRED = 20
NC, NS = 2, 16
NW = NC * NS
BPW = B // NW
GROUPS = BPW // 16

_LN2 = 0.6931471805599453
_SQRT2 = 1.4142135623730951


def _ln(x):
    bits = lax.bitcast_convert_type(x, jnp.int32)
    e = (bits >> 23) - 127
    m = lax.bitcast_convert_type((bits & 0x7FFFFF) | 0x3F800000, jnp.float32)
    big = m > _SQRT2
    m = jnp.where(big, m * 0.5, m)
    ef = e.astype(jnp.float32)
    ef = jnp.where(big, ef + 1.0, ef)
    t = (m - 1.0) / (m + 1.0)
    t2 = t * t
    p = jnp.float32(1.0 / 9.0)
    p = 1.0 / 7.0 + t2 * p
    p = 1.0 / 5.0 + t2 * p
    p = 1.0 / 3.0 + t2 * p
    p = 1.0 + t2 * p
    return ef * _LN2 + 2.0 * t * p


def _make_kernel():
    mesh = plsc.VectorSubcoreMesh(core_axis_name="c", subcore_axis_name="s")

    @functools.partial(
        pl.kernel,
        mesh=mesh,
        compiler_params=pltpu.CompilerParams(needs_layout_passes=False),
        out_type=jax.ShapeDtypeStruct((B,), jnp.float32),
        scratch_types=[
            pltpu.VMEM((BPW,), jnp.int32),
            pltpu.VMEM((BPW, NPRED), jnp.int32),
            pltpu.VMEM((BPW, P), jnp.float32),
            pltpu.VMEM((BPW,), jnp.float32),
            pltpu.SemaphoreType.DMA,
            pltpu.SemaphoreType.DMA,
            pltpu.SemaphoreType.DMA,
            pltpu.SemaphoreType.DMA,
            pltpu.SemaphoreType.DMA,
        ],
    )
    def scorer(frame_hbm, pred_hbm, table_hbm, out_hbm,
               fidx_v, pidx_v, rows_v, out_v, semp, sem0, sem1, sem2, sem3):
        wid = lax.axis_index("s") * NC + lax.axis_index("c")
        base = wid * BPW

        predcp = pltpu.async_copy(
            pred_hbm.at[pl.ds(base, BPW), :], pidx_v, semp)
        pltpu.sync_copy(frame_hbm.at[pl.ds(base, BPW)], fidx_v)
        sems = [sem0, sem1, sem2, sem3]
        chunks = [(0, 16), (16, 48), (64, 32), (96, 32)]
        cps = [
            pltpu.async_copy(
                table_hbm.at[fidx_v.at[pl.ds(lo, n)]],
                rows_v.at[pl.ds(lo, n)], sems[q])
            for q, (lo, n) in enumerate(chunks)
        ]

        lane = jnp.arange(16, dtype=jnp.int32)

        def _permute(v, idx):
            return lax.gather(
                v, idx[:, None],
                dimension_numbers=lax.GatherDimensionNumbers(
                    offset_dims=(), collapsed_slice_dims=(0,),
                    start_index_map=(0,)),
                slice_sizes=(1,),
                mode=lax.GatherScatterMode.PROMISE_IN_BOUNDS)

        def _merge(a, b, sh):
            msk = (lane & sh) == 0
            return (jnp.where(msk, a, _permute(b, lane ^ sh))
                    + jnp.where(msk, _permute(a, lane ^ sh), b))

        def _push(stack, v):
            lvl = 0
            while stack and stack[-1][0] == lvl:
                _, prev = stack.pop()
                v = _merge(prev, v, 1 << lvl)
                lvl += 1
            stack.append((lvl, v))

        def group_body(g, _):
            for q, wait_g in ((1, 1), (2, 4), (3, 6)):
                @pl.when(g == wait_g)
                def _wait_chunk(q=q):
                    cps[q].wait()

            r0 = g * 16
            zstk, wstk = [], []
            for j in range(16):
                r = r0 + j
                sl = [rows_v[r, pl.ds(16 * k, 16)] for k in range(8)]
                ex = [jnp.exp(sl[k]) for k in range(8)]
                while len(ex) > 1:
                    ex = [ex[2 * t] + ex[2 * t + 1] for t in range(len(ex) // 2)]
                _push(zstk, ex[0])
                p0 = pidx_v[r, pl.ds(0, 16)]
                p1 = pidx_v[r, pl.ds(NPRED - 16, 16)]
                rvec = jnp.full((16,), r, jnp.int32)
                w0 = plsc.load_gather(rows_v, [rvec, p0])
                w1 = plsc.load_gather(rows_v, [rvec, p1])
                w1 = jnp.where(lane >= 2 * 16 - NPRED, w1, 0.0)
                _push(wstk, w0 + w1)
            s = zstk[0][1]
            g20 = wstk[0][1]
            out_v[pl.ds(r0, 16)] = g20 - float(NPRED) * _ln(s)
            return 0

        cps[0].wait()
        predcp.wait()
        lax.fori_loop(0, GROUPS, group_body, 0)

        pltpu.sync_copy(out_v, out_hbm.at[pl.ds(base, BPW)])

    return scorer


_scorer = _make_kernel()


def kernel(frame_idx, pred_idx, frame_weights):
    return _scorer(frame_idx, pred_idx, frame_weights)

# --- scband reference (transcript-rebuilt; emitter-appended) ---
"""Pipeline reference for scband-frame-semantics-scorer-88356067213728 (READ-ONLY COPY).

The authoritative reference and input builder live on the scoring server;
editing this copy changes nothing except your own understanding.
"""

import jax, jax.numpy as jnp
import numpy as np


def setup_inputs(seed: int = 0) -> dict:
    key = jax.random.key(seed)
    k1, k2, k3 = jax.random.split(key, 3)
    # batched frame indices (one frame string id per parse in the batch)
    frame_idx = jax.random.randint(k1, (4096,), 0, 100000, dtype=jnp.int64 if jax.config.jax_enable_x64 else jnp.int32).astype(jnp.int32)
    # predicate (ontology constant) indices extracted from each parse's root verb semantics
    pred_idx = jax.random.randint(k2, (4096, 20), 0, 128).astype(jnp.int32)
    # learned frame -> predicate weight table (nn.Embedding weight, zeros-init in the
    # original; randn here so log_softmax is non-degenerate)
    frame_weights = jax.random.normal(k3, (100000, 128), dtype=jnp.float32)
    return {"frame_idx": frame_idx, "pred_idx": pred_idx, "frame_weights": frame_weights}


def reference(frame_idx, pred_idx, frame_weights):
    # predicate_weights = self.frame_dist(frame_idx)  (embedding row lookup)
    w = jnp.take(frame_weights, frame_idx, axis=0)            # [B, P]
    # predicate_logps = F.log_softmax(predicate_weights)
    logps = jax.nn.log_softmax(w, axis=-1)                    # [B, P]
    # score = sum of log-probs of predicates appearing in the root verb semantics
    gathered = jnp.take_along_axis(logps, pred_idx, axis=-1)  # [B, 20]
    score = gathered.sum(axis=-1)                             # [B]
    return score

if __name__ == "__main__":
    import jax
    _d = setup_inputs()
    print(jax.jit(kernel)(*tuple(_d.values())))

</pallas_src>

<mosaic_0001>
#map = affine_map<(d0, d1) -> (0)>
#map1 = affine_map<(d0, d1) -> (0, 0)>
module attributes {stable_mosaic.version = 14 : i64} {
  func.func @scorer(%arg0: i32, %arg1: i32, %arg2: memref<4096xi32, #tpu.memory_space<hbm>>, %arg3: memref<4096x20xi32, #tpu.memory_space<hbm>>, %arg4: memref<100000x128xf32, #tpu.memory_space<hbm>>, %arg5: memref<4096xf32, #tpu.memory_space<hbm>>, %arg6: memref<128xi32, #tpu.memory_space<vmem>>, %arg7: memref<128x20xi32, #tpu.memory_space<vmem>>, %arg8: memref<128x128xf32, #tpu.memory_space<vmem>>, %arg9: memref<128xf32, #tpu.memory_space<vmem>>, %arg10: memref<!tpu.dma_semaphore, #tpu.memory_space<semaphore_mem>>, %arg11: memref<!tpu.dma_semaphore, #tpu.memory_space<semaphore_mem>>, %arg12: memref<!tpu.dma_semaphore, #tpu.memory_space<semaphore_mem>>, %arg13: memref<!tpu.dma_semaphore, #tpu.memory_space<semaphore_mem>>, %arg14: memref<!tpu.dma_semaphore, #tpu.memory_space<semaphore_mem>>) attributes {dimension_semantics = [#tpu.dimension_semantics<core_parallel>, #tpu.dimension_semantics<subcore_parallel>], iteration_bounds = array<i64: 2, 16>, scalar_prefetch = 0 : i64, scratch_operands = 9 : i64, tpu.core_type = #tpu.core_type<sc_vector_subcore>, window_params = [{transform_indices = #map}, {transform_indices = #map1}, {transform_indices = #map1}, {transform_indices = #map}]} {
    %mul3A = arith.constant 2 : i32
    %mul3A_0 = arith.muli %arg1, %mul3A : i32
    %add3A = arith.addi %mul3A_0, %arg0 : i32
    %mul3A_1 = arith.constant 128 : i32
    %mul3A_2 = arith.muli %add3A, %mul3A_1 : i32
    %dma_start3A = arith.constant 0 : i32
    %dma_start3A_3 = tpu.memref_slice %arg3[%mul3A_2, %dma_start3A] : memref<4096x20xi32, #tpu.memory_space<hbm>> -> memref<128x20xi32, #tpu.memory_space<hbm>>
    %dma_start3A_4 = arith.constant 0 : i32
    %dma_start3A_5 = tpu.memref_slice %arg3[%mul3A_2, %dma_start3A_4] : memref<4096x20xi32, #tpu.memory_space<hbm>> -> memref<128x20xi32, #tpu.memory_space<hbm>>
    tpu.enqueue_dma source(%dma_start3A_5 : memref<128x20xi32, #tpu.memory_space<hbm>>) target(%arg7 : memref<128x20xi32, #tpu.memory_space<vmem>>) target_semaphore(%arg10 : memref<!tpu.dma_semaphore, #tpu.memory_space<semaphore_mem>>)
    "tpu.region"() ({
      %run_scoped3A = tpu.sem_alloc : memref<!tpu.dma_semaphore, #tpu.memory_space<semaphore_mem>>
      %dma_start3A_55 = tpu.memref_slice %arg2[%mul3A_2] : memref<4096xi32, #tpu.memory_space<hbm>> -> memref<128xi32, #tpu.memory_space<hbm>>
      %dma_start3A_56 = tpu.memref_slice %arg2[%mul3A_2] : memref<4096xi32, #tpu.memory_space<hbm>> -> memref<128xi32, #tpu.memory_space<hbm>>
      tpu.enqueue_dma source(%dma_start3A_56 : memref<128xi32, #tpu.memory_space<hbm>>) target(%arg6 : memref<128xi32, #tpu.memory_space<vmem>>) target_semaphore(%run_scoped3A : memref<!tpu.dma_semaphore, #tpu.memory_space<semaphore_mem>>)
      %dma_wait3A_57 = tpu.memref_slice %arg2[%mul3A_2] : memref<4096xi32, #tpu.memory_space<hbm>> -> memref<128xi32, #tpu.memory_space<hbm>>
      %dma_wait3A_58 = tpu.memref_slice %arg2[%mul3A_2] : memref<4096xi32, #tpu.memory_space<hbm>> -> memref<128xi32, #tpu.memory_space<hbm>>
      tpu.wait_dma2 semaphore(%run_scoped3A : memref<!tpu.dma_semaphore, #tpu.memory_space<semaphore_mem>>) src(%dma_wait3A_58 : memref<128xi32, #tpu.memory_space<hbm>>) dst(%arg6 : memref<128xi32, #tpu.memory_space<vmem>>)
      tpu.yield
    }) : () -> ()
    %dma_start3A_6 = arith.constant 0 : i32
    %dma_start3A_7 = arith.constant 0 : i32
    %dma_start3A_8 = tpu.memref_slice %arg8[%dma_start3A_6, %dma_start3A_7] : memref<128x128xf32, #tpu.memory_space<vmem>> -> memref<16x128xf32, #tpu.memory_space<vmem>>
    %dma_start3A_9 = arith.constant 0 : i32
    %dma_start3A_10 = tpu.memref_slice %arg6[%dma_start3A_9] : memref<128xi32, #tpu.memory_space<vmem>> -> memref<16xi32, #tpu.memory_space<vmem>>
    %dma_start3A_11 = arith.constant 0 : i32
    %dma_start3A_12 = arith.constant 0 : i32
    %dma_start3A_13 = tpu.memref_slice %arg4[%dma_start3A_11, %dma_start3A_12] : memref<100000x128xf32, #tpu.memory_space<hbm>> -> memref<100000x128xf32, #tpu.memory_space<hbm>>
    tpu.enqueue_indirect_dma source(%dma_start3A_13 : memref<100000x128xf32, #tpu.memory_space<hbm>>) target(%dma_start3A_8 : memref<16x128xf32, #tpu.memory_space<vmem>>) offsets(%dma_start3A_10 : memref<16xi32, #tpu.memory_space<vmem>>) semaphore(%arg11 : memref<!tpu.dma_semaphore, #tpu.memory_space<semaphore_mem>>)
    %dma_start3A_14 = arith.constant 16 : i32
    %dma_start3A_15 = arith.constant 0 : i32
    %dma_start3A_16 = tpu.memref_slice %arg8[%dma_start3A_14, %dma_start3A_15] : memref<128x128xf32, #tpu.memory_space<vmem>> -> memref<48x128xf32, #tpu.memory_space<vmem>>
    %dma_start3A_17 = arith.constant 16 : i32
    %dma_start3A_18 = tpu.memref_slice %arg6[%dma_start3A_17] : memref<128xi32, #tpu.memory_space<vmem>> -> memref<48xi32, #tpu.memory_space<vmem>>
    %dma_start3A_19 = arith.constant 0 : i32
    %dma_start3A_20 = arith.constant 0 : i32
    %dma_start3A_21 = tpu.memref_slice %arg4[%dma_start3A_19, %dma_start3A_20] : memref<100000x128xf32, #tpu.memory_space<hbm>> -> memref<100000x128xf32, #tpu.memory_space<hbm>>
    tpu.enqueue_indirect_dma source(%dma_start3A_21 : memref<100000x128xf32, #tpu.memory_space<hbm>>) target(%dma_start3A_16 : memref<48x128xf32, #tpu.memory_space<vmem>>) offsets(%dma_start3A_18 : memref<48xi32, #tpu.memory_space<vmem>>) semaphore(%arg12 : memref<!tpu.dma_semaphore, #tpu.memory_space<semaphore_mem>>)
    %dma_start3A_22 = arith.constant 64 : i32
    %dma_start3A_23 = arith.constant 0 : i32
    %dma_start3A_24 = tpu.memref_slice %arg8[%dma_start3A_22, %dma_start3A_23] : memref<128x128xf32, #tpu.memory_space<vmem>> -> memref<32x128xf32, #tpu.memory_space<vmem>>
    %dma_start3A_25 = arith.constant 64 : i32
    %dma_start3A_26 = tpu.memref_slice %arg6[%dma_start3A_25] : memref<128xi32, #tpu.memory_space<vmem>> -> memref<32xi32, #tpu.memory_space<vmem>>
    %dma_start3A_27 = arith.constant 0 : i32
    %dma_start3A_28 = arith.constant 0 : i32
    %dma_start3A_29 = tpu.memref_slice %arg4[%dma_start3A_27, %dma_start3A_28] : memref<100000x128xf32, #tpu.memory_space<hbm>> -> memref<100000x128xf32, #tpu.memory_space<hbm>>
    tpu.enqueue_indirect_dma source(%dma_start3A_29 : memref<100000x128xf32, #tpu.memory_space<hbm>>) target(%dma_start3A_24 : memref<32x128xf32, #tpu.memory_space<vmem>>) offsets(%dma_start3A_26 : memref<32xi32, #tpu.memory_space<vmem>>) semaphore(%arg13 : memref<!tpu.dma_semaphore, #tpu.memory_space<semaphore_mem>>)
    %dma_start3A_30 = arith.constant 96 : i32
    %dma_start3A_31 = arith.constant 0 : i32
    %dma_start3A_32 = tpu.memref_slice %arg8[%dma_start3A_30, %dma_start3A_31] : memref<128x128xf32, #tpu.memory_space<vmem>> -> memref<32x128xf32, #tpu.memory_space<vmem>>
    %dma_start3A_33 = arith.constant 96 : i32
    %dma_start3A_34 = tpu.memref_slice %arg6[%dma_start3A_33] : memref<128xi32, #tpu.memory_space<vmem>> -> memref<32xi32, #tpu.memory_space<vmem>>
    %dma_start3A_35 = arith.constant 0 : i32
    %dma_start3A_36 = arith.constant 0 : i32
    %dma_start3A_37 = tpu.memref_slice %arg4[%dma_start3A_35, %dma_start3A_36] : memref<100000x128xf32, #tpu.memory_space<hbm>> -> memref<100000x128xf32, #tpu.memory_space<hbm>>
    tpu.enqueue_indirect_dma source(%dma_start3A_37 : memref<100000x128xf32, #tpu.memory_space<hbm>>) target(%dma_start3A_32 : memref<32x128xf32, #tpu.memory_space<vmem>>) offsets(%dma_start3A_34 : memref<32xi32, #tpu.memory_space<vmem>>) semaphore(%arg14 : memref<!tpu.dma_semaphore, #tpu.memory_space<semaphore_mem>>)
    %iota3A = tpu.iota {dimensions = array<i32: 0>} : vector<16xi32>
    %dma_wait3A = arith.constant 0 : i32
    %dma_wait3A_38 = arith.constant 0 : i32
    %dma_wait3A_39 = tpu.memref_slice %arg8[%dma_wait3A, %dma_wait3A_38] : memref<128x128xf32, #tpu.memory_space<vmem>> -> memref<16x128xf32, #tpu.memory_space<vmem>>
    %dma_wait3A_40 = arith.constant 0 : i32
    %dma_wait3A_41 = tpu.memref_slice %arg6[%dma_wait3A_40] : memref<128xi32, #tpu.memory_space<vmem>> -> memref<16xi32, #tpu.memory_space<vmem>>
    %dma_wait3A_42 = arith.constant 0 : i32
    %dma_wait3A_43 = arith.constant 0 : i32
    %dma_wait3A_44 = tpu.memref_slice %arg4[%dma_wait3A_42, %dma_wait3A_43] : memref<100000x128xf32, #tpu.memory_space<hbm>> -> memref<100000x128xf32, #tpu.memory_space<hbm>>
    tpu.wait_indirect_dma semaphore(%arg11 : memref<!tpu.dma_semaphore, #tpu.memory_space<semaphore_mem>>) src(%dma_wait3A_44 : memref<100000x128xf32, #tpu.memory_space<hbm>>) dst(%dma_wait3A_39 : memref<16x128xf32, #tpu.memory_space<vmem>>)
    %dma_wait3A_45 = arith.constant 0 : i32
    %dma_wait3A_46 = tpu.memref_slice %arg3[%mul3A_2, %dma_wait3A_45] : memref<4096x20xi32, #tpu.memory_space<hbm>> -> memref<128x20xi32, #tpu.memory_space<hbm>>
    %dma_wait3A_47 = arith.constant 0 : i32
    %dma_wait3A_48 = tpu.memref_slice %arg3[%mul3A_2, %dma_wait3A_47] : memref<4096x20xi32, #tpu.memory_space<hbm>> -> memref<128x20xi32, #tpu.memory_space<hbm>>
    tpu.wait_dma2 semaphore(%arg10 : memref<!tpu.dma_semaphore, #tpu.memory_space<semaphore_mem>>) src(%dma_wait3A_48 : memref<128x20xi32, #tpu.memory_space<hbm>>) dst(%arg7 : memref<128x20xi32, #tpu.memory_space<vmem>>)
    %scan3A = arith.constant 0 : i32
    %scan3A_49 = arith.constant 0 : i32
    %scan3A_50 = arith.constant 8 : i32
    %scan3A_51 = arith.addi %scan3A_49, %scan3A_50 : i32
    %scan3A_52 = arith.constant 1 : i32
    %scan3A_53 = scf.for %scan3A_55 = %scan3A_49 to %scan3A_51 step %scan3A_52 iter_args(%scan3A_56 = %scan3A) -> (i32)  : i32 {
      %eq3A = arith.constant 1 : i32
      %eq3A_57 = arith.cmpi eq, %scan3A_55, %eq3A : i32
      %convert_element_type3A = arith.extui %eq3A_57 : i1 to i32
      %cond3A = arith.constant 0 : i32
      %cond3A_58 = arith.cmpi ne, %convert_element_type3A, %cond3A : i32
      scf.if %cond3A_58 {
        %dma_wait3A_1664 = arith.constant 16 : i32
        %dma_wait3A_1665 = arith.constant 0 : i32
        %dma_wait3A_1666 = tpu.memref_slice %arg8[%dma_wait3A_1664, %dma_wait3A_1665] : memref<128x128xf32, #tpu.memory_space<vmem>> -> memref<48x128xf32, #tpu.memory_space<vmem>>
        %dma_wait3A_1667 = arith.constant 16 : i32
        %dma_wait3A_1668 = tpu.memref_slice %arg6[%dma_wait3A_1667] : memref<128xi32, #tpu.memory_space<vmem>> -> memref<48xi32, #tpu.memory_space<vmem>>
        %dma_wait3A_1669 = arith.constant 0 : i32
        %dma_wait3A_1670 = arith.constant 0 : i32
        %dma_wait3A_1671 = tpu.memref_slice %arg4[%dma_wait3A_1669, %dma_wait3A_1670] : memref<100000x128xf32, #tpu.memory_space<hbm>> -> memref<100000x128xf32, #tpu.memory_space<hbm>>
        tpu.wait_indirect_dma semaphore(%arg12 : memref<!tpu.dma_semaphore, #tpu.memory_space<semaphore_mem>>) src(%dma_wait3A_1671 : memref<100000x128xf32, #tpu.memory_space<hbm>>) dst(%dma_wait3A_1666 : memref<48x128xf32, #tpu.memory_space<vmem>>)
      } else {
      }
      %eq3A_59 = arith.constant 4 : i32
      %eq3A_60 = arith.cmpi eq, %scan3A_55, %eq3A_59 : i32
      %convert_element_type3A_61 = arith.extui %eq3A_60 : i1 to i32
      %cond3A_62 = arith.constant 0 : i32
      %cond3A_63 = arith.cmpi ne, %convert_element_type3A_61, %cond3A_62 : i32
      scf.if %cond3A_63 {
        %dma_wait3A_1664 = arith.constant 64 : i32
        %dma_wait3A_1665 = arith.constant 0 : i32
        %dma_wait3A_1666 = tpu.memref_slice %arg8[%dma_wait3A_1664, %dma_wait3A_1665] : memref<128x128xf32, #tpu.memory_space<vmem>> -> memref<32x128xf32, #tpu.memory_space<vmem>>
        %dma_wait3A_1667 = arith.constant 64 : i32
        %dma_wait3A_1668 = tpu.memref_slice %arg6[%dma_wait3A_1667] : memref<128xi32, #tpu.memory_space<vmem>> -> memref<32xi32, #tpu.memory_space<vmem>>
        %dma_wait3A_1669 = arith.constant 0 : i32
        %dma_wait3A_1670 = arith.constant 0 : i32
        %dma_wait3A_1671 = tpu.memref_slice %arg4[%dma_wait3A_1669, %dma_wait3A_1670] : memref<100000x128xf32, #tpu.memory_space<hbm>> -> memref<100000x128xf32, #tpu.memory_space<hbm>>
        tpu.wait_indirect_dma semaphore(%arg13 : memref<!tpu.dma_semaphore, #tpu.memory_space<semaphore_mem>>) src(%dma_wait3A_1671 : memref<100000x128xf32, #tpu.memory_space<hbm>>) dst(%dma_wait3A_1666 : memref<32x128xf32, #tpu.memory_space<vmem>>)
      } else {
      }
      %eq3A_64 = arith.constant 6 : i32
      %eq3A_65 = arith.cmpi eq, %scan3A_55, %eq3A_64 : i32
      %convert_element_type3A_66 = arith.extui %eq3A_65 : i1 to i32
      %cond3A_67 = arith.constant 0 : i32
      %cond3A_68 = arith.cmpi ne, %convert_element_type3A_66, %cond3A_67 : i32
      scf.if %cond3A_68 {
        %dma_wait3A_1664 = arith.constant 96 : i32
        %dma_wait3A_1665 = arith.constant 0 : i32
        %dma_wait3A_1666 = tpu.memref_slice %arg8[%dma_wait3A_1664, %dma_wait3A_1665] : memref<128x128xf32, #tpu.memory_space<vmem>> -> memref<32x128xf32, #tpu.memory_space<vmem>>
        %dma_wait3A_1667 = arith.constant 96 : i32
        %dma_wait3A_1668 = tpu.memref_slice %arg6[%dma_wait3A_1667] : memref<128xi32, #tpu.memory_space<vmem>> -> memref<32xi32, #tpu.memory_space<vmem>>
        %dma_wait3A_1669 = arith.constant 0 : i32
        %dma_wait3A_1670 = arith.constant 0 : i32
        %dma_wait3A_1671 = tpu.memref_slice %arg4[%dma_wait3A_1669, %dma_wait3A_1670] : memref<100000x128xf32, #tpu.memory_space<hbm>> -> memref<100000x128xf32, #tpu.memory_space<hbm>>
        tpu.wait_indirect_dma semaphore(%arg14 : memref<!tpu.dma_semaphore, #tpu.memory_space<semaphore_mem>>) src(%dma_wait3A_1671 : memref<100000x128xf32, #tpu.memory_space<hbm>>) dst(%dma_wait3A_1666 : memref<32x128xf32, #tpu.memory_space<vmem>>)
      } else {
      }
      %mul3A_69 = arith.constant 16 : i32
      %mul3A_70 = arith.muli %scan3A_55, %mul3A_69 : i32
      %add3A_71 = arith.constant 0 : i32
      %add3A_72 = arith.addi %mul3A_70, %add3A_71 : i32
      %get3A = arith.index_cast %add3A_72 : i32 to index
      %get3A_73 = arith.constant 0 : index
      %get3A_74 = tpu.vector_load %arg8[%get3A, %get3A_73] {strides = array<i32>} : memref<128x128xf32, #tpu.memory_space<vmem>>, vector<16xf32>,
      %get3A_75 = arith.index_cast %add3A_72 : i32 to index
      %get3A_76 = arith.constant 16 : index
      %get3A_77 = tpu.vector_load %arg8[%get3A_75, %get3A_76] {strides = array<i32>} : memref<128x128xf32, #tpu.memory_space<vmem>>, vector<16xf32>,
      %get3A_78 = arith.index_cast %add3A_72 : i32 to index
      %get3A_79 = arith.constant 32 : index
      %get3A_80 = tpu.vector_load %arg8[%get3A_78, %get3A_79] {strides = array<i32>} : memref<128x128xf32, #tpu.memory_space<vmem>>, vector<16xf32>,
      %get3A_81 = arith.index_cast %add3A_72 : i32 to index
      %get3A_82 = arith.constant 48 : index
      %get3A_83 = tpu.vector_load %arg8[%get3A_81, %get3A_82] {strides = array<i32>} : memref<128x128xf32, #tpu.memory_space<vmem>>, vector<16xf32>,
      %get3A_84 = arith.index_cast %add3A_72 : i32 to index
      %get3A_85 = arith.constant 64 : index
      %get3A_86 = tpu.vector_load %arg8[%get3A_84, %get3A_85] {strides = array<i32>} : memref<128x128xf32, #tpu.memory_space<vmem>>, vector<16xf32>,
      %get3A_87 = arith.index_cast %add3A_72 : i32 to index
      %get3A_88 = arith.constant 80 : index
      %get3A_89 = tpu.vector_load %arg8[%get3A_87, %get3A_88] {strides = array<i32>} : memref<128x128xf32, #tpu.memory_space<vmem>>, vector<16xf32>,
      %get3A_90 = arith.index_cast %add3A_72 : i32 to index
      %get3A_91 = arith.constant 96 : index
      %get3A_92 = tpu.vector_load %arg8[%get3A_90, %get3A_91] {strides = array<i32>} : memref<128x128xf32, #tpu.memory_space<vmem>>, vector<16xf32>,
      %get3A_93 = arith.index_cast %add3A_72 : i32 to index
      %get3A_94 = arith.constant 112 : index
      %get3A_95 = tpu.vector_load %arg8[%get3A_93, %get3A_94] {strides = array<i32>} : memref<128x128xf32, #tpu.memory_space<vmem>>, vector<16xf32>,
      %exp3A = math.exp %get3A_74 : vector<16xf32>
      %exp3A_96 = math.exp %get3A_77 : vector<16xf32>
      %exp3A_97 = math.exp %get3A_80 : vector<16xf32>
      %exp3A_98 = math.exp %get3A_83 : vector<16xf32>
      %exp3A_99 = math.exp %get3A_86 : vector<16xf32>
      %exp3A_100 = math.exp %get3A_89 : vector<16xf32>
      %exp3A_101 = math.exp %get3A_92 : vector<16xf32>
      %exp3A_102 = math.exp %get3A_95 : vector<16xf32>
      %add3A_103 = arith.addf %exp3A, %exp3A_96 : vector<16xf32>
      %add3A_104 = arith.addf %exp3A_97, %exp3A_98 : vector<16xf32>
      %add3A_105 = arith.addf %exp3A_99, %exp3A_100 : vector<16xf32>
      %add3A_106 = arith.addf %exp3A_101, %exp3A_102 : vector<16xf32>
      %add3A_107 = arith.addf %add3A_103, %add3A_104 : vector<16xf32>
      %add3A_108 = arith.addf %add3A_105, %add3A_106 : vector<16xf32>
      %add3A_109 = arith.addf %add3A_107, %add3A_108 : vector<16xf32>
      %get3A_110 = arith.index_cast %add3A_72 : i32 to index
      %get3A_111 = arith.constant 0 : index
      %get3A_112 = tpu.vector_load %arg7[%get3A_110, %get3A_111] {strides = array<i32>} : memref<128x20xi32, #tpu.memory_space<vmem>>, vector<16xi32>,
      %get3A_113 = arith.index_cast %add3A_72 : i32 to index
      %get3A_114 = arith.constant 4 : index
      %get3A_115 = tpu.vector_load %arg7[%get3A_113, %get3A_114] {strides = array<i32>} : memref<128x20xi32, #tpu.memory_space<vmem>>, vector<16xi32>,
      %broadcast_in_dim3A = vector.broadcast %add3A_72 : i32 to vector<16xi32>
      %gather3A = tpu.vector_load_idx %arg8[%broadcast_in_dim3A, %get3A_112] : memref<128x128xf32, #tpu.memory_space<vmem>>[vector<16xi32>, vector<16xi32>], vector<16xf32>,
      %gather3A_116 = tpu.vector_load_idx %arg8[%broadcast_in_dim3A, %get3A_115] : memref<128x128xf32, #tpu.memory_space<vmem>>[vector<16xi32>, vector<16xi32>], vector<16xf32>,
      %ge3A = arith.constant 12 : i32
      %ge3A_117 = vector.broadcast %ge3A : i32 to vector<16xi32>
      %ge3A_118 = arith.cmpi sge, %iota3A, %ge3A_117 : vector<16xi32>
      %jit3A = arith.constant 0.000000e+00 : f32
      %broadcast_in_dim3A_119 = vector.broadcast %jit3A : f32 to vector<16xf32>
      %select_n3A = arith.select %ge3A_118, %gather3A_116, %broadcast_in_dim3A_119 : vector<16xi1>, vector<16xf32>
      %add3A_120 = arith.addf %gather3A, %select_n3A : vector<16xf32>
      %add3A_121 = arith.constant 1 : i32
      %add3A_122 = arith.addi %mul3A_70, %add3A_121 : i32
      %get3A_123 = arith.index_cast %add3A_122 : i32 to index
      %get3A_124 = arith.constant 0 : index
      %get3A_125 = tpu.vector_load %arg8[%get3A_123, %get3A_124] {strides = array<i32>} : memref<128x128xf32, #tpu.memory_space<vmem>>, vector<16xf32>,
      %get3A_126 = arith.index_cast %add3A_122 : i32 to index
      %get3A_127 = arith.constant 16 : index
      %get3A_128 = tpu.vector_load %arg8[%get3A_126, %get3A_127] {strides = array<i32>} : memref<128x128xf32, #tpu.memory_space<vmem>>, vector<16xf32>,
      %get3A_129 = arith.index_cast %add3A_122 : i32 to index
      %get3A_130 = arith.constant 32 : index
      %get3A_131 = tpu.vector_load %arg8[%get3A_129, %get3A_130] {strides = array<i32>} : memref<128x128xf32, #tpu.memory_space<vmem>>, vector<16xf32>,
      %get3A_132 = arith.index_cast %add3A_122 : i32 to index
      %get3A_133 = arith.constant 48 : index
      %get3A_134 = tpu.vector_load %arg8[%get3A_132, %get3A_133] {strides = array<i32>} : memref<128x128xf32, #tpu.memory_space<vmem>>, vector<16xf32>,
      %get3A_135 = arith.index_cast %add3A_122 : i32 to index
      %get3A_136 = arith.constant 64 : index
      %get3A_137 = tpu.vector_load %arg8[%get3A_135, %get3A_136] {strides = array<i32>} : memref<128x128xf32, #tpu.memory_space<vmem>>, vector<16xf32>,
      %get3A_138 = arith.index_cast %add3A_122 : i32 to index
      %get3A_139 = arith.constant 80 : index
      %get3A_140 = tpu.vector_load %arg8[%get3A_138, %get3A_139] {strides = array<i32>} : memref<128x128xf32, #tpu.memory_space<vmem>>, vector<16xf32>,
      %get3A_141 = arith.index_cast %add3A_122 : i32 to index
      %get3A_142 = arith.constant 96 : index
      %get3A_143 = tpu.vector_load %arg8[%get3A_141, %get3A_142] {strides = array<i32>} : memref<128x128xf32, #tpu.memory_space<vmem>>, vector<16xf32>,
      %get3A_144 = arith.index_cast %add3A_122 : i32 to index
      %get3A_145 = arith.constant 112 : index
      %get3A_146 = tpu.vector_load %arg8[%get3A_144, %get3A_145] {strides = array<i32>} : memref<128x128xf32, #tpu.memory_space<vmem>>, vector<16xf32>,
      %exp3A_147 = math.exp %get3A_125 : vector<16xf32>
      %exp3A_148 = math.exp %get3A_128 : vector<16xf32>
      %exp3A_149 = math.exp %get3A_131 : vector<16xf32>
      %exp3A_150 = math.exp %get3A_134 : vector<16xf32>
      %exp3A_151 = math.exp %get3A_137 : vector<16xf32>
      %exp3A_152 = math.exp %get3A_140 : vector<16xf32>
      %exp3A_153 = math.exp %get3A_143 : vector<16xf32>
      %exp3A_154 = math.exp %get3A_146 : vector<16xf32>
      %add3A_155 = arith.addf %exp3A_147, %exp3A_148 : vector<16xf32>
      %add3A_156 = arith.addf %exp3A_149, %exp3A_150 : vector<16xf32>
      %add3A_157 = arith.addf %exp3A_151, %exp3A_152 : vector<16xf32>
      %add3A_158 = arith.addf %exp3A_153, %exp3A_154 : vector<16xf32>
      %add3A_159 = arith.addf %add3A_155, %add3A_156 : vector<16xf32>
      %add3A_160 = arith.addf %add3A_157, %add3A_158 : vector<16xf32>
      %add3A_161 = arith.addf %add3A_159, %add3A_160 : vector<16xf32>
      %and3A = arith.constant 1 : i32
      %and3A_162 = vector.broadcast %and3A : i32 to vector<16xi32>
      %and3A_163 = arith.andi %iota3A, %and3A_162 : vector<16xi32>
      %eq3A_164 = arith.constant 0 : i32
      %eq3A_165 = vector.broadcast %eq3A_164 : i32 to vector<16xi32>
      %eq3A_166 = arith.cmpi eq, %and3A_163, %eq3A_165 : vector<16xi32>
      %xor3A = arith.constant 1 : i32
      %xor3A_167 = vector.broadcast %xor3A : i32 to vector<16xi32>
      %xor3A_168 = arith.xori %iota3A, %xor3A_167 : vector<16xi32>
      %broadcast_in_dim3A_169 = vector.shape_cast %xor3A_168 : vector<16xi32> to vector<16x1xi32>
      %gather3A_170 = vector.shape_cast %broadcast_in_dim3A_169 : vector<16x1xi32> to vector<16xi32>
      %gather3A_171 = tpu.dynamic_gather %add3A_161[%gather3A_170] in [0] : vector<16xf32>, vector<16xi32> -> vector<16xf32>
      %select_n3A_172 = arith.select %eq3A_166, %add3A_109, %gather3A_171 : vector<16xi1>, vector<16xf32>
      %xor3A_173 = arith.constant 1 : i32
      %xor3A_174 = vector.broadcast %xor3A_173 : i32 to vector<16xi32>
      %xor3A_175 = arith.xori %iota3A, %xor3A_174 : vector<16xi32>
      %broadcast_in_dim3A_176 = vector.shape_cast %xor3A_175 : vector<16xi32> to vector<16x1xi32>
      %gather3A_177 = vector.shape_cast %broadcast_in_dim3A_176 : vector<16x1xi32> to vector<16xi32>
      %gather3A_178 = tpu.dynamic_gather %add3A_109[%gather3A_177] in [0] : vector<16xf32>, vector<16xi32> -> vector<16xf32>
      %select_n3A_179 = arith.select %eq3A_166, %gather3A_178, %add3A_161 : vector<16xi1>, vector<16xf32>
      %add3A_180 = arith.addf %select_n3A_172, %select_n3A_179 : vector<16xf32>
      %get3A_181 = arith.index_cast %add3A_122 : i32 to index
      %get3A_182 = arith.constant 0 : index
      %get3A_183 = tpu.vector_load %arg7[%get3A_181, %get3A_182] {strides = array<i32>} : memref<128x20xi32, #tpu.memory_space<vmem>>, vector<16xi32>,
      %get3A_184 = arith.index_cast %add3A_122 : i32 to index
      %get3A_185 = arith.constant 4 : index
      %get3A_186 = tpu.vector_load %arg7[%get3A_184, %get3A_185] {strides = array<i32>} : memref<128x20xi32, #tpu.memory_space<vmem>>, vector<16xi32>,
      %broadcast_in_dim3A_187 = vector.broadcast %add3A_122 : i32 to vector<16xi32>
      %gather3A_188 = tpu.vector_load_idx %arg8[%broadcast_in_dim3A_187, %get3A_183] : memref<128x128xf32, #tpu.memory_space<vmem>>[vector<16xi32>, vector<16xi32>], vector<16xf32>,
      %gather3A_189 = tpu.vector_load_idx %arg8[%broadcast_in_dim3A_187, %get3A_186] : memref<128x128xf32, #tpu.memory_space<vmem>>[vector<16xi32>, vector<16xi32>], vector<16xf32>,
      %ge3A_190 = arith.constant 12 : i32
      %ge3A_191 = vector.broadcast %ge3A_190 : i32 to vector<16xi32>
      %ge3A_192 = arith.cmpi sge, %iota3A, %ge3A_191 : vector<16xi32>
      %jit3A_193 = arith.constant 0.000000e+00 : f32
      %broadcast_in_dim3A_194 = vector.broadcast %jit3A_193 : f32 to vector<16xf32>
      %select_n3A_195 = arith.select %ge3A_192, %gather3A_189, %broadcast_in_dim3A_194 : vector<16xi1>, vector<16xf32>
      %add3A_196 = arith.addf %gather3A_188, %select_n3A_195 : vector<16xf32>
      %and3A_197 = arith.constant 1 : i32
      %and3A_198 = vector.broadcast %and3A_197 : i32 to vector<16xi32>
      %and3A_199 = arith.andi %iota3A, %and3A_198 : vector<16xi32>
      %eq3A_200 = arith.constant 0 : i32
      %eq3A_201 = vector.broadcast %eq3A_200 : i32 to vector<16xi32>
      %eq3A_202 = arith.cmpi eq, %and3A_199, %eq3A_201 : vector<16xi32>
      %xor3A_203 = arith.constant 1 : i32
      %xor3A_204 = vector.broadcast %xor3A_203 : i32 to vector<16xi32>
      %xor3A_205 = arith.xori %iota3A, %xor3A_204 : vector<16xi32>
      %broadcast_in_dim3A_206 = vector.shape_cast %xor3A_205 : vector<16xi32> to vector<16x1xi32>
      %gather3A_207 = vector.shape_cast %broadcast_in_dim3A_206 : vector<16x1xi32> to vector<16xi32>
      %gather3A_208 = tpu.dynamic_gather %add3A_196[%gather3A_207] in [0] : vector<16xf32>, vector<16xi32> -> vector<16xf32>
      %select_n3A_209 = arith.select %eq3A_202, %add3A_120, %gather3A_208 : vector<16xi1>, vector<16xf32>
      %xor3A_210 = arith.constant 1 : i32
      %xor3A_211 = vector.broadcast %xor3A_210 : i32 to vector<16xi32>
      %xor3A_212 = arith.xori %iota3A, %xor3A_211 : vector<16xi32>
      %broadcast_in_dim3A_213 = vector.shape_cast %xor3A_212 : vector<16xi32> to vector<16x1xi32>
      %gather3A_214 = vector.shape_cast %broadcast_in_dim3A_213 : vector<16x1xi32> to vector<16xi32>
      %gather3A_215 = tpu.dynamic_gather %add3A_120[%gather3A_214] in [0] : vector<16xf32>, vector<16xi32> -> vector<16xf32>
      %select_n3A_216 = arith.select %eq3A_202, %gather3A_215, %add3A_196 : vector<16xi1>, vector<16xf32>
      %add3A_217 = arith.addf %select_n3A_209, %select_n3A_216 : vector<16xf32>
      %add3A_218 = arith.constant 2 : i32
      %add3A_219 = arith.addi %mul3A_70, %add3A_218 : i32
      %get3A_220 = arith.index_cast %add3A_219 : i32 to index
      %get3A_221 = arith.constant 0 : index
      %get3A_222 = tpu.vector_load %arg8[%get3A_220, %get3A_221] {strides = array<i32>} : memref<128x128xf32, #tpu.memory_space<vmem>>, vector<16xf32>,
      %get3A_223 = arith.index_cast %add3A_219 : i32 to index
      %get3A_224 = arith.constant 16 : index
      %get3A_225 = tpu.vector_load %arg8[%get3A_223, %get3A_224] {strides = array<i32>} : memref<128x128xf32, #tpu.memory_space<vmem>>, vector<16xf32>,
      %get3A_226 = arith.index_cast %add3A_219 : i32 to index
      %get3A_227 = arith.constant 32 : index
      %get3A_228 = tpu.vector_load %arg8[%get3A_226, %get3A_227] {strides = array<i32>} : memref<128x128xf32, #tpu.memory_space<vmem>>, vector<16xf32>,
      %get3A_229 = arith.index_cast %add3A_219 : i32 to index
      %get3A_230 = arith.constant 48 : index
      %get3A_231 = tpu.vector_load %arg8[%get3A_229, %get3A_230] {strides = array<i32>} : memref<128x128xf32, #tpu.memory_space<vmem>>, vector<16xf32>,
      %get3A_232 = arith.index_cast %add3A_219 : i32 to index
      %get3A_233 = arith.constant 64 : index
      %get3A_234 = tpu.vector_load %arg8[%get3A_232, %get3A_233] {strides = array<i32>} : memref<128x128xf32, #tpu.memory_space<vmem>>, vector<16xf32>,
      %get3A_235 = arith.index_cast %add3A_219 : i32 to index
      %get3A_236 = arith.constant 80 : index
      %get3A_237 = tpu.vector_load %arg8[%get3A_235, %get3A_236] {strides = array<i32>} : memref<128x128xf32, #tpu.memory_space<vmem>>, vector<16xf32>,
      %get3A_238 = arith.index_cast %add3A_219 : i32 to index
      %get3A_239 = arith.constant 96 : index
      %get3A_240 = tpu.vector_load %arg8[%get3A_238, %get3A_239] {strides = array<i32>} : memref<128x128xf32, #tpu.memory_space<vmem>>, vector<16xf32>,
      %get3A_241 = arith.index_cast %add3A_219 : i32 to index
      %get3A_242 = arith.constant 112 : index
      %get3A_243 = tpu.vector_load %arg8[%get3A_241, %get3A_242] {strides = array<i32>} : memref<128x128xf32, #tpu.memory_space<vmem>>, vector<16xf32>,
      %exp3A_244 = math.exp %get3A_222 : vector<16xf32>
      %exp3A_245 = math.exp %get3A_225 : vector<16xf32>
      %exp3A_246 = math.exp %get3A_228 : vector<16xf32>
      %exp3A_247 = math.exp %get3A_231 : vector<16xf32>
      %exp3A_248 = math.exp %get3A_234 : vector<16xf32>
      %exp3A_249 = math.exp %get3A_237 : vector<16xf32>
      %exp3A_250 = math.exp %get3A_240 : vector<16xf32>
      %exp3A_251 = math.exp %get3A_243 : vector<16xf32>
      %add3A_252 = arith.addf %exp3A_244, %exp3A_245 : vector<16xf32>
      %add3A_253 = arith.addf %exp3A_246, %exp3A_247 : vector<16xf32>
      %add3A_254 = arith.addf %exp3A_248, %exp3A_249 : vector<16xf32>
      %add3A_255 = arith.addf %exp3A_250, %exp3A_251 : vector<16xf32>
      %add3A_256 = arith.addf %add3A_252, %add3A_253 : vector<16xf32>
      %add3A_257 = arith.addf %add3A_254, %add3A_255 : vector<16xf32>
      %add3A_258 = arith.addf %add3A_256, %add3A_257 : vector<16xf32>
      %get3A_259 = arith.index_cast %add3A_219 : i32 to index
      %get3A_260 = arith.constant 0 : index
      %get3A_261 = tpu.vector_load %arg7[%get3A_259, %get3A_260] {strides = array<i32>} : memref<128x20xi32, #tpu.memory_space<vmem>>, vector<16xi32>,
      %get3A_262 = arith.index_cast %add3A_219 : i32 to index
      %get3A_263 = arith.constant 4 : index
      %get3A_264 = tpu.vector_load %arg7[%get3A_262, %get3A_263] {strides = array<i32>} : memref<128x20xi32, #tpu.memory_space<vmem>>, vector<16xi32>,
      %broadcast_in_dim3A_265 = vector.broadcast %add3A_219 : i32 to vector<16xi32>
      %gather3A_266 = tpu.vector_load_idx %arg8[%broadcast_in_dim3A_265, %get3A_261] : memref<128x128xf32, #tpu.memory_space<vmem>>[vector<16xi32>, vector<16xi32>], vector<16xf32>,
      %gather3A_267 = tpu.vector_load_idx %arg8[%broadcast_in_dim3A_265, %get3A_264] : memref<128x128xf32, #tpu.memory_space<vmem>>[vector<16xi32>, vector<16xi32>], vector<16xf32>,
      %ge3A_268 = arith.constant 12 : i32
      %ge3A_269 = vector.broadcast %ge3A_268 : i32 to vector<16xi32>
      %ge3A_270 = arith.cmpi sge, %iota3A, %ge3A_269 : vector<16xi32>
      %jit3A_271 = arith.constant 0.000000e+00 : f32
      %broadcast_in_dim3A_272 = vector.broadcast %jit3A_271 : f32 to vector<16xf32>
      %select_n3A_273 = arith.select %ge3A_270, %gather3A_267, %broadcast_in_dim3A_272 : vector<16xi1>, vector<16xf32>
      %add3A_274 = arith.addf %gather3A_266, %select_n3A_273 : vector<16xf32>
      %add3A_275 = arith.constant 3 : i32
      %add3A_276 = arith.addi %mul3A_70, %add3A_275 : i32
      %get3A_277 = arith.index_cast %add3A_276 : i32 to index
      %get3A_278 = arith.constant 0 : index
      %get3A_279 = tpu.vector_load %arg8[%get3A_277, %get3A_278] {strides = array<i32>} : memref<128x128xf32, #tpu.memory_space<vmem>>, vector<16xf32>,
      %get3A_280 = arith.index_cast %add3A_276 : i32 to index
      %get3A_281 = arith.constant 16 : index
      %get3A_282 = tpu.vector_load %arg8[%get3A_280, %get3A_281] {strides = array<i32>} : memref<128x128xf32, #tpu.memory_space<vmem>>, vector<16xf32>,
      %get3A_283 = arith.index_cast %add3A_276 : i32 to index
      %get3A_284 = arith.constant 32 : index
      %get3A_285 = tpu.vector_load %arg8[%get3A_283, %get3A_284] {strides = array<i32>} : memref<128x128xf32, #tpu.memory_space<vmem>>, vector<16xf32>,
      %get3A_286 = arith.index_cast %add3A_276 : i32 to index
      %get3A_287 = arith.constant 48 : index
      %get3A_288 = tpu.vector_load %arg8[%get3A_286, %get3A_287] {strides = array<i32>} : memref<128x128xf32, #tpu.memory_space<vmem>>, vector<16xf32>,
      %get3A_289 = arith.index_cast %add3A_276 : i32 to index
      %get3A_290 = arith.constant 64 : index
      %get3A_291 = tpu.vector_load %arg8[%get3A_289, %get3A_290] {strides = array<i32>} : memref<128x128xf32, #tpu.memory_space<vmem>>, vector<16xf32>,
      %get3A_292 = arith.index_cast %add3A_276 : i32 to index
      %get3A_293 = arith.constant 80 : index
      %get3A_294 = tpu.vector_load %arg8[%get3A_292, %get3A_293] {strides = array<i32>} : memref<128x128xf32, #tpu.memory_space<vmem>>, vector<16xf32>,
      %get3A_295 = arith.index_cast %add3A_276 : i32 to index
      %get3A_296 = arith.constant 96 : index
      %get3A_297 = tpu.vector_load %arg8[%get3A_295, %get3A_296] {strides = array<i32>} : memref<128x128xf32, #tpu.memory_space<vmem>>, vector<16xf32>,
      %get3A_298 = arith.index_cast %add3A_276 : i32 to index
      %get3A_299 = arith.constant 112 : index
      %get3A_300 = tpu.vector_load %arg8[%get3A_298, %get3A_299] {strides = array<i32>} : memref<128x128xf32, #tpu.memory_space<vmem>>, vector<16xf32>,
      %exp3A_301 = math.exp %get3A_279 : vector<16xf32>
      %exp3A_302 = math.exp %get3A_282 : vector<16xf32>
      %exp3A_303 = math.exp %get3A_285 : vector<16xf32>
      %exp3A_304 = math.exp %get3A_288 : vector<16xf32>
      %exp3A_305 = math.exp %get3A_291 : vector<16xf32>
      %exp3A_306 = math.exp %get3A_294 : vector<16xf32>
      %exp3A_307 = math.exp %get3A_297 : vector<16xf32>
      %exp3A_308 = math.exp %get3A_300 : vector<16xf32>
      %add3A_309 = arith.addf %exp3A_301, %exp3A_302 : vector<16xf32>
      %add3A_310 = arith.addf %exp3A_303, %exp3A_304 : vector<16xf32>
      %add3A_311 = arith.addf %exp3A_305, %exp3A_306 : vector<16xf32>
      %add3A_312 = arith.addf %exp3A_307, %exp3A_308 : vector<16xf32>
      %add3A_313 = arith.addf %add3A_309, %add3A_310 : vector<16xf32>
      %add3A_314 = arith.addf %add3A_311, %add3A_312 : vector<16xf32>
      %add3A_315 = arith.addf %add3A_313, %add3A_314 : vector<16xf32>
      %and3A_316 = arith.constant 1 : i32
      %and3A_317 = vector.broadcast %and3A_316 : i32 to vector<16xi32>
      %and3A_318 = arith.andi %iota3A, %and3A_317 : vector<16xi32>
      %eq3A_319 = arith.constant 0 : i32
      %eq3A_320 = vector.broadcast %eq3A_319 : i32 to vector<16xi32>
      %eq3A_321 = arith.cmpi eq, %and3A_318, %eq3A_320 : vector<16xi32>
      %xor3A_322 = arith.constant 1 : i32
      %xor3A_323 = vector.broadcast %xor3A_322 : i32 to vector<16xi32>
      %xor3A_324 = arith.xori %iota3A, %xor3A_323 : vector<16xi32>
      %broadcast_in_dim3A_325 = vector.shape_cast %xor3A_324 : vector<16xi32> to vector<16x1xi32>
      %gather3A_326 = vector.shape_cast %broadcast_in_dim3A_325 : vector<16x1xi32> to vector<16xi32>
      %gather3A_327 = tpu.dynamic_gather %add3A_315[%gather3A_326] in [0] : vector<16xf32>, vector<16xi32> -> vector<16xf32>
      %select_n3A_328 = arith.select %eq3A_321, %add3A_258, %gather3A_327 : vector<16xi1>, vector<16xf32>
      %xor3A_329 = arith.constant 1 : i32
      %xor3A_330 = vector.broadcast %xor3A_329 : i32 to vector<16xi32>
      %xor3A_331 = arith.xori %iota3A, %xor3A_330 : vector<16xi32>
      %broadcast_in_dim3A_332 = vector.shape_cast %xor3A_331 : vector<16xi32> to vector<16x1xi32>
      %gather3A_333 = vector.shape_cast %broadcast_in_dim3A_332 : vector<16x1xi32> to vector<16xi32>
      %gather3A_334 = tpu.dynamic_gather %add3A_258[%gather3A_333] in [0] : vector<16xf32>, vector<16xi32> -> vector<16xf32>
      %select_n3A_335 = arith.select %eq3A_321, %gather3A_334, %add3A_315 : vector<16xi1>, vector<16xf32>
      %add3A_336 = arith.addf %select_n3A_328, %select_n3A_335 : vector<16xf32>
      %and3A_337 = arith.constant 2 : i32
      %and3A_338 = vector.broadcast %and3A_337 : i32 to vector<16xi32>
      %and3A_339 = arith.andi %iota3A, %and3A_338 : vector<16xi32>
      %eq3A_340 = arith.constant 0 : i32
      %eq3A_341 = vector.broadcast %eq3A_340 : i32 to vector<16xi32>
      %eq3A_342 = arith.cmpi eq, %and3A_339, %eq3A_341 : vector<16xi32>
      %xor3A_343 = arith.constant 2 : i32
      %xor3A_344 = vector.broadcast %xor3A_343 : i32 to vector<16xi32>
      %xor3A_345 = arith.xori %iota3A, %xor3A_344 : vector<16xi32>
      %broadcast_in_dim3A_346 = vector.shape_cast %xor3A_345 : vector<16xi32> to vector<16x1xi32>
      %gather3A_347 = vector.shape_cast %broadcast_in_dim3A_346 : vector<16x1xi32> to vector<16xi32>
      %gather3A_348 = tpu.dynamic_gather %add3A_336[%gather3A_347] in [0] : vector<16xf32>, vector<16xi32> -> vector<16xf32>
      %select_n3A_349 = arith.select %eq3A_342, %add3A_180, %gather3A_348 : vector<16xi1>, vector<16xf32>
      %xor3A_350 = arith.constant 2 : i32
      %xor3A_351 = vector.broadcast %xor3A_350 : i32 to vector<16xi32>
      %xor3A_352 = arith.xori %iota3A, %xor3A_351 : vector<16xi32>
      %broadcast_in_dim3A_353 = vector.shape_cast %xor3A_352 : vector<16xi32> to vector<16x1xi32>
      %gather3A_354 = vector.shape_cast %broadcast_in_dim3A_353 : vector<16x1xi32> to vector<16xi32>
      %gather3A_355 = tpu.dynamic_gather %add3A_180[%gather3A_354] in [0] : vector<16xf32>, vector<16xi32> -> vector<16xf32>
      %select_n3A_356 = arith.select %eq3A_342, %gather3A_355, %add3A_336 : vector<16xi1>, vector<16xf32>
      %add3A_357 = arith.addf %select_n3A_349, %select_n3A_356 : vector<16xf32>
      %get3A_358 = arith.index_cast %add3A_276 : i32 to index
      %get3A_359 = arith.constant 0 : index
      %get3A_360 = tpu.vector_load %arg7[%get3A_358, %get3A_359] {strides = array<i32>} : memref<128x20xi32, #tpu.memory_space<vmem>>, vector<16xi32>,
      %get3A_361 = arith.index_cast %add3A_276 : i32 to index
      %get3A_362 = arith.constant 4 : index
      %get3A_363 = tpu.vector_load %arg7[%get3A_361, %get3A_362] {strides = array<i32>} : memref<128x20xi32, #tpu.memory_space<vmem>>, vector<16xi32>,
      %broadcast_in_dim3A_364 = vector.broadcast %add3A_276 : i32 to vector<16xi32>
      %gather3A_365 = tpu.vector_load_idx %arg8[%broadcast_in_dim3A_364, %get3A_360] : memref<128x128xf32, #tpu.memory_space<vmem>>[vector<16xi32>, vector<16xi32>], vector<16xf32>,
      %gather3A_366 = tpu.vector_load_idx %arg8[%broadcast_in_dim3A_364, %get3A_363] : memref<128x128xf32, #tpu.memory_space<vmem>>[vector<16xi32>, vector<16xi32>], vector<16xf32>,
      %ge3A_367 = arith.constant 12 : i32
      %ge3A_368 = vector.broadcast %ge3A_367 : i32 to vector<16xi32>
      %ge3A_369 = arith.cmpi sge, %iota3A, %ge3A_368 : vector<16xi32>
      %jit3A_370 = arith.constant 0.000000e+00 : f32
      %broadcast_in_dim3A_371 = vector.broadcast %jit3A_370 : f32 to vector<16xf32>
      %select_n3A_372 = arith.select %ge3A_369, %gather3A_366, %broadcast_in_dim3A_371 : vector<16xi1>, vector<16xf32>
      %add3A_373 = arith.addf %gather3A_365, %select_n3A_372 : vector<16xf32>
      %and3A_374 = arith.constant 1 : i32
      %and3A_375 = vector.broadcast %and3A_374 : i32 to vector<16xi32>
      %and3A_376 = arith.andi %iota3A, %and3A_375 : vector<16xi32>
      %eq3A_377 = arith.constant 0 : i32
      %eq3A_378 = vector.broadcast %eq3A_377 : i32 to vector<16xi32>
      %eq3A_379 = arith.cmpi eq, %and3A_376, %eq3A_378 : vector<16xi32>
      %xor3A_380 = arith.constant 1 : i32
      %xor3A_381 = vector.broadcast %xor3A_380 : i32 to vector<16xi32>
      %xor3A_382 = arith.xori %iota3A, %xor3A_381 : vector<16xi32>
      %broadcast_in_dim3A_383 = vector.shape_cast %xor3A_382 : vector<16xi32> to vector<16x1xi32>
      %gather3A_384 = vector.shape_cast %broadcast_in_dim3A_383 : vector<16x1xi32> to vector<16xi32>
      %gather3A_385 = tpu.dynamic_gather %add3A_373[%gather3A_384] in [0] : vector<16xf32>, vector<16xi32> -> vector<16xf32>
      %select_n3A_386 = arith.select %eq3A_379, %add3A_274, %gather3A_385 : vector<16xi1>, vector<16xf32>
      %xor3A_387 = arith.constant 1 : i32
      %xor3A_388 = vector.broadcast %xor3A_387 : i32 to vector<16xi32>
      %xor3A_389 = arith.xori %iota3A, %xor3A_388 : vector<16xi32>
      %broadcast_in_dim3A_390 = vector.shape_cast %xor3A_389 : vector<16xi32> to vector<16x1xi32>
      %gather3A_391 = vector.shape_cast %broadcast_in_dim3A_390 : vector<16x1xi32> to vector<16xi32>
      %gather3A_392 = tpu.dynamic_gather %add3A_274[%gather3A_391] in [0] : vector<16xf32>, vector<16xi32> -> vector<16xf32>
      %select_n3A_393 = arith.select %eq3A_379, %gather3A_392, %add3A_373 : vector<16xi1>, vector<16xf32>
      %add3A_394 = arith.addf %select_n3A_386, %select_n3A_393 : vector<16xf32>
      %and3A_395 = arith.constant 2 : i32
      %and3A_396 = vector.broadcast %and3A_395 : i32 to vector<16xi32>
      %and3A_397 = arith.andi %iota3A, %and3A_396 : vector<16xi32>
      %eq3A_398 = arith.constant 0 : i32
      %eq3A_399 = vector.broadcast %eq3A_398 : i32 to vector<16xi32>
      %eq3A_400 = arith.cmpi eq, %and3A_397, %eq3A_399 : vector<16xi32>
      %xor3A_401 = arith.constant 2 : i32
      %xor3A_402 = vector.broadcast %xor3A_401 : i32 to vector<16xi32>
      %xor3A_403 = arith.xori %iota3A, %xor3A_402 : vector<16xi32>
      %broadcast_in_dim3A_404 = vector.shape_cast %xor3A_403 : vector<16xi32> to vector<16x1xi32>
      %gather3A_405 = vector.shape_cast %broadcast_in_dim3A_404 : vector<16x1xi32> to vector<16xi32>
      %gather3A_406 = tpu.dynamic_gather %add3A_394[%gather3A_405] in [0] : vector<16xf32>, vector<16xi32> -> vector<16xf32>
      %select_n3A_407 = arith.select %eq3A_400, %add3A_217, %gather3A_406 : vector<16xi1>, vector<16xf32>
      %xor3A_408 = arith.constant 2 : i32
      %xor3A_409 = vector.broadcast %xor3A_408 : i32 to vector<16xi32>
      %xor3A_410 = arith.xori %iota3A, %xor3A_409 : vector<16xi32>
      %broadcast_in_dim3A_411 = vector.shape_cast %xor3A_410 : vector<16xi32> to vector<16x1xi32>
      %gather3A_412 = vector.shape_cast %broadcast_in_dim3A_411 : vector<16x1xi32> to vector<16xi32>
      %gather3A_413 = tpu.dynamic_gather %add3A_217[%gather3A_412] in [0] : vector<16xf32>, vector<16xi32> -> vector<16xf32>
      %select_n3A_414 = arith.select %eq3A_400, %gather3A_413, %add3A_394 : vector<16xi1>, vector<16xf32>
      %add3A_415 = arith.addf %select_n3A_407, %select_n3A_414 : vector<16xf32>
      %add3A_416 = arith.constant 4 : i32
      %add3A_417 = arith.addi %mul3A_70, %add3A_416 : i32
      %get3A_418 = arith.index_cast %add3A_417 : i32 to index
      %get3A_419 = arith.constant 0 : index
      %get3A_420 = tpu.vector_load %arg8[%get3A_418, %get3A_419] {strides = array<i32>} : memref<128x128xf32, #tpu.memory_space<vmem>>, vector<16xf32>,
      %get3A_421 = arith.index_cast %add3A_417 : i32 to index
      %get3A_422 = arith.constant 16 : index
      %get3A_423 = tpu.vector_load %arg8[%get3A_421, %get3A_422] {strides = array<i32>} : memref<128x128xf32, #tpu.memory_space<vmem>>, vector<16xf32>,
      %get3A_424 = arith.index_cast %add3A_417 : i32 to index
      %get3A_425 = arith.constant 32 : index
      %get3A_426 = tpu.vector_load %arg8[%get3A_424, %get3A_425] {strides = array<i32>} : memref<128x128xf32, #tpu.memory_space<vmem>>, vector<16xf32>,
      %get3A_427 = arith.index_cast %add3A_417 : i32 to index
      %get3A_428 = arith.constant 48 : index
      %get3A_429 = tpu.vector_load %arg8[%get3A_427, %get3A_428] {strides = array<i32>} : memref<128x128xf32, #tpu.memory_space<vmem>>, vector<16xf32>,
      %get3A_430 = arith.index_cast %add3A_417 : i32 to index
      %get3A_431 = arith.constant 64 : index
      %get3A_432 = tpu.vector_load %arg8[%get3A_430, %get3A_431] {strides = array<i32>} : memref<128x128xf32, #tpu.memory_space<vmem>>, vector<16xf32>,
      %get3A_433 = arith.index_cast %add3A_417 : i32 to index
      %get3A_434 = arith.constant 80 : index
      %get3A_435 = tpu.vector_load %arg8[%get3A_433, %get3A_434] {strides = array<i32>} : memref<128x128xf32, #tpu.memory_space<vmem>>, vector<16xf32>,
      %get3A_436 = arith.index_cast %add3A_417 : i32 to index
      %get3A_437 = arith.constant 96 : index
      %get3A_438 = tpu.vector_load %arg8[%get3A_436, %get3A_437] {strides = array<i32>} : memref<128x128xf32, #tpu.memory_space<vmem>>, vector<16xf32>,
      %get3A_439 = arith.index_cast %add3A_417 : i32 to index
      %get3A_440 = arith.constant 112 : index
      %get3A_441 = tpu.vector_load %arg8[%get3A_439, %get3A_440] {strides = array<i32>} : memref<128x128xf32, #tpu.memory_space<vmem>>, vector<16xf32>,
      %exp3A_442 = math.exp %get3A_420 : vector<16xf32>
      %exp3A_443 = math.exp %get3A_423 : vector<16xf32>
      %exp3A_444 = math.exp %get3A_426 : vector<16xf32>
      %exp3A_445 = math.exp %get3A_429 : vector<16xf32>
      %exp3A_446 = math.exp %get3A_432 : vector<16xf32>
      %exp3A_447 = math.exp %get3A_435 : vector<16xf32>
      %exp3A_448 = math.exp %get3A_438 : vector<16xf32>
      %exp3A_449 = math.exp %get3A_441 : vector<16xf32>
      %add3A_450 = arith.addf %exp3A_442, %exp3A_443 : vector<16xf32>
      %add3A_451 = arith.addf %exp3A_444, %exp3A_445 : vector<16xf32>
      %add3A_452 = arith.addf %exp3A_446, %exp3A_447 : vector<16xf32>
      %add3A_453 = arith.addf %exp3A_448, %exp3A_449 : vector<16xf32>
      %add3A_454 = arith.addf %add3A_450, %add3A_451 : vector<16xf32>
      %add3A_455 = arith.addf %add3A_452, %add3A_453 : vector<16xf32>
      %add3A_456 = arith.addf %add3A_454, %add3A_455 : vector<16xf32>
      %get3A_457 = arith.index_cast %add3A_417 : i32 to index
      %get3A_458 = arith.constant 0 : index
      %get3A_459 = tpu.vector_load %arg7[%get3A_457, %get3A_458] {strides = array<i32>} : memref<128x20xi32, #tpu.memory_space<vmem>>, vector<16xi32>,
      %get3A_460 = arith.index_cast %add3A_417 : i32 to index
      %get3A_461 = arith.constant 4 : index
      %get3A_462 = tpu.vector_load %arg7[%get3A_460, %get3A_461] {strides = array<i32>} : memref<128x20xi32, #tpu.memory_space<vmem>>, vector<16xi32>,
      %broadcast_in_dim3A_463 = vector.broadcast %add3A_417 : i32 to vector<16xi32>
      %gather3A_464 = tpu.vector_load_idx %arg8[%broadcast_in_dim3A_463, %get3A_459] : memref<128x128xf32, #tpu.memory_space<vmem>>[vector<16xi32>, vector<16xi32>], vector<16xf32>,
      %gather3A_465 = tpu.vector_load_idx %arg8[%broadcast_in_dim3A_463, %get3A_462] : memref<128x128xf32, #tpu.memory_space<vmem>>[vector<16xi32>, vector<16xi32>], vector<16xf32>,
      %ge3A_466 = arith.constant 12 : i32
      %ge3A_467 = vector.broadcast %ge3A_466 : i32 to vector<16xi32>
      %ge3A_468 = arith.cmpi sge, %iota3A, %ge3A_467 : vector<16xi32>
      %jit3A_469 = arith.constant 0.000000e+00 : f32
      %broadcast_in_dim3A_470 = vector.broadcast %jit3A_469 : f32 to vector<16xf32>
      %select_n3A_471 = arith.select %ge3A_468, %gather3A_465, %broadcast_in_dim3A_470 : vector<16xi1>, vector<16xf32>
      %add3A_472 = arith.addf %gather3A_464, %select_n3A_471 : vector<16xf32>
      %add3A_473 = arith.constant 5 : i32
      %add3A_474 = arith.addi %mul3A_70, %add3A_473 : i32
      %get3A_475 = arith.index_cast %add3A_474 : i32 to index
      %get3A_476 = arith.constant 0 : index
      %get3A_477 = tpu.vector_load %arg8[%get3A_475, %get3A_476] {strides = array<i32>} : memref<128x128xf32, #tpu.memory_space<vmem>>, vector<16xf32>,
      %get3A_478 = arith.index_cast %add3A_474 : i32 to index
      %get3A_479 = arith.constant 16 : index
      %get3A_480 = tpu.vector_load %arg8[%get3A_478, %get3A_479] {strides = array<i32>} : memref<128x128xf32, #tpu.memory_space<vmem>>, vector<16xf32>,
      %get3A_481 = arith.index_cast %add3A_474 : i32 to index
      %get3A_482 = arith.constant 32 : index
      %get3A_483 = tpu.vector_load %arg8[%get3A_481, %get3A_482] {strides = array<i32>} : memref<128x128xf32, #tpu.memory_space<vmem>>, vector<16xf32>,
      %get3A_484 = arith.index_cast %add3A_474 : i32 to index
      %get3A_485 = arith.constant 48 : index
      %get3A_486 = tpu.vector_load %arg8[%get3A_484, %get3A_485] {strides = array<i32>} : memref<128x128xf32, #tpu.memory_space<vmem>>, vector<16xf32>,
      %get3A_487 = arith.index_cast %add3A_474 : i32 to index
      %get3A_488 = arith.constant 64 : index
      %get3A_489 = tpu.vector_load %arg8[%get3A_487, %get3A_488] {strides = array<i32>} : memref<128x128xf32, #tpu.memory_space<vmem>>, vector<16xf32>,
      %get3A_490 = arith.index_cast %add3A_474 : i32 to index
      %get3A_491 = arith.constant 80 : index
      %get3A_492 = tpu.vector_load %arg8[%get3A_490, %get3A_491] {strides = array<i32>} : memref<128x128xf32, #tpu.memory_space<vmem>>, vector<16xf32>,
      %get3A_493 = arith.index_cast %add3A_474 : i32 to index
      %get3A_494 = arith.constant 96 : index
      %get3A_495 = tpu.vector_load %arg8[%get3A_493, %get3A_494] {strides = array<i32>} : memref<128x128xf32, #tpu.memory_space<vmem>>, vector<16xf32>,
      %get3A_496 = arith.index_cast %add3A_474 : i32 to index
      %get3A_497 = arith.constant 112 : index
      %get3A_498 = tpu.vector_load %arg8[%get3A_496, %get3A_497] {strides = array<i32>} : memref<128x128xf32, #tpu.memory_space<vmem>>, vector<16xf32>,
      %exp3A_499 = math.exp %get3A_477 : vector<16xf32>
      %exp3A_500 = math.exp %get3A_480 : vector<16xf32>
      %exp3A_501 = math.exp %get3A_483 : vector<16xf32>
      %exp3A_502 = math.exp %get3A_486 : vector<16xf32>
      %exp3A_503 = math.exp %get3A_489 : vector<16xf32>
      %exp3A_504 = math.exp %get3A_492 : vector<16xf32>
      %exp3A_505 = math.exp %get3A_495 : vector<16xf32>
      %exp3A_506 = math.exp %get3A_498 : vector<16xf32>
      %add3A_507 = arith.addf %exp3A_499, %exp3A_500 : vector<16xf32>
      %add3A_508 = arith.addf %exp3A_501, %exp3A_502 : vector<16xf32>
      %add3A_509 = arith.addf %exp3A_503, %exp3A_504 : vector<16xf32>
      %add3A_510 = arith.addf %exp3A_505, %exp3A_506 : vector<16xf32>
      %add3A_511 = arith.addf %add3A_507, %add3A_508 : vector<16xf32>
      %add3A_512 = arith.addf %add3A_509, %add3A_510 : vector<16xf32>
      %add3A_513 = arith.addf %add3A_511, %add3A_512 : vector<16xf32>
      %and3A_514 = arith.constant 1 : i32
      %and3A_515 = vector.broadcast %and3A_514 : i32 to vector<16xi32>
      %and3A_516 = arith.andi %iota3A, %and3A_515 : vector<16xi32>
      %eq3A_517 = arith.constant 0 : i32
      %eq3A_518 = vector.broadcast %eq3A_517 : i32 to vector<16xi32>
      %eq3A_519 = arith.cmpi eq, %and3A_516, %eq3A_518 : vector<16xi32>
      %xor3A_520 = arith.constant 1 : i32
      %xor3A_521 = vector.broadcast %xor3A_520 : i32 to vector<16xi32>
      %xor3A_522 = arith.xori %iota3A, %xor3A_521 : vector<16xi32>
      %broadcast_in_dim3A_523 = vector.shape_cast %xor3A_522 : vector<16xi32> to vector<16x1xi32>
      %gather3A_524 = vector.shape_cast %broadcast_in_dim3A_523 : vector<16x1xi32> to vector<16xi32>
      %gather3A_525 = tpu.dynamic_gather %add3A_513[%gather3A_524] in [0] : vector<16xf32>, vector<16xi32> -> vector<16xf32>
      %select_n3A_526 = arith.select %eq3A_519, %add3A_456, %gather3A_525 : vector<16xi1>, vector<16xf32>
      %xor3A_527 = arith.constant 1 : i32
      %xor3A_528 = vector.broadcast %xor3A_527 : i32 to vector<16xi32>
      %xor3A_529 = arith.xori %iota3A, %xor3A_528 : vector<16xi32>
      %broadcast_in_dim3A_530 = vector.shape_cast %xor3A_529 : vector<16xi32> to vector<16x1xi32>
      %gather3A_531 = vector.shape_cast %broadcast_in_dim3A_530 : vector<16x1xi32> to vector<16xi32>
      %gather3A_532 = tpu.dynamic_gather %add3A_456[%gather3A_531] in [0] : vector<16xf32>, vector<16xi32> -> vector<16xf32>
      %select_n3A_533 = arith.select %eq3A_519, %gather3A_532, %add3A_513 : vector<16xi1>, vector<16xf32>
      %add3A_534 = arith.addf %select_n3A_526, %select_n3A_533 : vector<16xf32>
      %get3A_535 = arith.index_cast %add3A_474 : i32 to index
      %get3A_536 = arith.constant 0 : index
      %get3A_537 = tpu.vector_load %arg7[%get3A_535, %get3A_536] {strides = array<i32>} : memref<128x20xi32, #tpu.memory_space<vmem>>, vector<16xi32>,
      %get3A_538 = arith.index_cast %add3A_474 : i32 to index
      %get3A_539 = arith.constant 4 : index
      %get3A_540 = tpu.vector_load %arg7[%get3A_538, %get3A_539] {strides = array<i32>} : memref<128x20xi32, #tpu.memory_space<vmem>>, vector<16xi32>,
      %broadcast_in_dim3A_541 = vector.broadcast %add3A_474 : i32 to vector<16xi32>
      %gather3A_542 = tpu.vector_load_idx %arg8[%broadcast_in_dim3A_541, %get3A_537] : memref<128x128xf32, #tpu.memory_space<vmem>>[vector<16xi32>, vector<16xi32>], vector<16xf32>,
      %gather3A_543 = tpu.vector_load_idx %arg8[%broadcast_in_dim3A_541, %get3A_540] : memref<128x128xf32, #tpu.memory_space<vmem>>[vector<16xi32>, vector<16xi32>], vector<16xf32>,
      %ge3A_544 = arith.constant 12 : i32
      %ge3A_545 = vector.broadcast %ge3A_544 : i32 to vector<16xi32>
      %ge3A_546 = arith.cmpi sge, %iota3A, %ge3A_545 : vector<16xi32>
      %jit3A_547 = arith.constant 0.000000e+00 : f32
      %broadcast_in_dim3A_548 = vector.broadcast %jit3A_547 : f32 to vector<16xf32>
      %select_n3A_549 = arith.select %ge3A_546, %gather3A_543, %broadcast_in_dim3A_548 : vector<16xi1>, vector<16xf32>
      %add3A_550 = arith.addf %gather3A_542, %select_n3A_549 : vector<16xf32>
      %and3A_551 = arith.constant 1 : i32
      %and3A_552 = vector.broadcast %and3A_551 : i32 to vector<16xi32>
      %and3A_553 = arith.andi %iota3A, %and3A_552 : vector<16xi32>
      %eq3A_554 = arith.constant 0 : i32
      %eq3A_555 = vector.broadcast %eq3A_554 : i32 to vector<16xi32>
      %eq3A_556 = arith.cmpi eq, %and3A_553, %eq3A_555 : vector<16xi32>
      %xor3A_557 = arith.constant 1 : i32
      %xor3A_558 = vector.broadcast %xor3A_557 : i32 to vector<16xi32>
      %xor3A_559 = arith.xori %iota3A, %xor3A_558 : vector<16xi32>
      %broadcast_in_dim3A_560 = vector.shape_cast %xor3A_559 : vector<16xi32> to vector<16x1xi32>
      %gather3A_561 = vector.shape_cast %broadcast_in_dim3A_560 : vector<16x1xi32> to vector<16xi32>
      %gather3A_562 = tpu.dynamic_gather %add3A_550[%gather3A_561] in [0] : vector<16xf32>, vector<16xi32> -> vector<16xf32>
      %select_n3A_563 = arith.select %eq3A_556, %add3A_472, %gather3A_562 : vector<16xi1>, vector<16xf32>
      %xor3A_564 = arith.constant 1 : i32
      %xor3A_565 = vector.broadcast %xor3A_564 : i32 to vector<16xi32>
      %xor3A_566 = arith.xori %iota3A, %xor3A_565 : vector<16xi32>
      %broadcast_in_dim3A_567 = vector.shape_cast %xor3A_566 : vector<16xi32> to vector<16x1xi32>
      %gather3A_568 = vector.shape_cast %broadcast_in_dim3A_567 : vector<16x1xi32> to vector<16xi32>
      %gather3A_569 = tpu.dynamic_gather %add3A_472[%gather3A_568] in [0] : vector<16xf32>, vector<16xi32> -> vector<16xf32>
      %select_n3A_570 = arith.select %eq3A_556, %gather3A_569, %add3A_550 : vector<16xi1>, vector<16xf32>
      %add3A_571 = arith.addf %select_n3A_563, %select_n3A_570 : vector<16xf32>
      %add3A_572 = arith.constant 6 : i32
      %add3A_573 = arith.addi %mul3A_70, %add3A_572 : i32
      %get3A_574 = arith.index_cast %add3A_573 : i32 to index
      %get3A_575 = arith.constant 0 : index
      %get3A_576 = tpu.vector_load %arg8[%get3A_574, %get3A_575] {strides = array<i32>} : memref<128x128xf32, #tpu.memory_space<vmem>>, vector<16xf32>,
      %get3A_577 = arith.index_cast %add3A_573 : i32 to index
      %get3A_578 = arith.constant 16 : index
      %get3A_579 = tpu.vector_load %arg8[%get3A_577, %get3A_578] {strides = array<i32>} : memref<128x128xf32, #tpu.memory_space<vmem>>, vector<16xf32>,
      %get3A_580 = arith.index_cast %add3A_573 : i32 to index
      %get3A_581 = arith.constant 32 : index
      %get3A_582 = tpu.vector_load %arg8[%get3A_580, %get3A_581] {strides = array<i32>} : memref<128x128xf32, #tpu.memory_space<vmem>>, vector<16xf32>,
      %get3A_583 = arith.index_cast %add3A_573 : i32 to index
      %get3A_584 = arith.constant 48 : index
      %get3A_585 = tpu.vector_load %arg8[%get3A_583, %get3A_584] {strides = array<i32>} : memref<128x128xf32, #tpu.memory_space<vmem>>, vector<16xf32>,
      %get3A_586 = arith.index_cast %add3A_573 : i32 to index
      %get3A_587 = arith.constant 64 : index
      %get3A_588 = tpu.vector_load %arg8[%get3A_586, %get3A_587] {strides = array<i32>} : memref<128x128xf32, #tpu.memory_space<vmem>>, vector<16xf32>,
      %get3A_589 = arith.index_cast %add3A_573 : i32 to index
      %get3A_590 = arith.constant 80 : index
      %get3A_591 = tpu.vector_load %arg8[%get3A_589, %get3A_590] {strides = array<i32>} : memref<128x128xf32, #tpu.memory_space<vmem>>, vector<16xf32>,
      %get3A_592 = arith.index_cast %add3A_573 : i32 to index
      %get3A_593 = arith.constant 96 : index
      %get3A_594 = tpu.vector_load %arg8[%get3A_592, %get3A_593] {strides = array<i32>} : memref<128x128xf32, #tpu.memory_space<vmem>>, vector<16xf32>,
      %get3A_595 = arith.index_cast %add3A_573 : i32 to index
      %get3A_596 = arith.constant 112 : index
      %get3A_597 = tpu.vector_load %arg8[%get3A_595, %get3A_596] {strides = array<i32>} : memref<128x128xf32, #tpu.memory_space<vmem>>, vector<16xf32>,
      %exp3A_598 = math.exp %get3A_576 : vector<16xf32>
      %exp3A_599 = math.exp %get3A_579 : vector<16xf32>
      %exp3A_600 = math.exp %get3A_582 : vector<16xf32>
      %exp3A_601 = math.exp %get3A_585 : vector<16xf32>
      %exp3A_602 = math.exp %get3A_588 : vector<16xf32>
      %exp3A_603 = math.exp %get3A_591 : vector<16xf32>
      %exp3A_604 = math.exp %get3A_594 : vector<16xf32>
      %exp3A_605 = math.exp %get3A_597 : vector<16xf32>
      %add3A_606 = arith.addf %exp3A_598, %exp3A_599 : vector<16xf32>
      %add3A_607 = arith.addf %exp3A_600, %exp3A_601 : vector<16xf32>
      %add3A_608 = arith.addf %exp3A_602, %exp3A_603 : vector<16xf32>
      %add3A_609 = arith.addf %exp3A_604, %exp3A_605 : vector<16xf32>
      %add3A_610 = arith.addf %add3A_606, %add3A_607 : vector<16xf32>
      %add3A_611 = arith.addf %add3A_608, %add3A_609 : vector<16xf32>
      %add3A_612 = arith.addf %add3A_610, %add3A_611 : vector<16xf32>
      %get3A_613 = arith.index_cast %add3A_573 : i32 to index
      %get3A_614 = arith.constant 0 : index
      %get3A_615 = tpu.vector_load %arg7[%get3A_613, %get3A_614] {strides = array<i32>} : memref<128x20xi32, #tpu.memory_space<vmem>>, vector<16xi32>,
      %get3A_616 = arith.index_cast %add3A_573 : i32 to index
      %get3A_617 = arith.constant 4 : index
      %get3A_618 = tpu.vector_load %arg7[%get3A_616, %get3A_617] {strides = array<i32>} : memref<128x20xi32, #tpu.memory_space<vmem>>, vector<16xi32>,
      %broadcast_in_dim3A_619 = vector.broadcast %add3A_573 : i32 to vector<16xi32>
      %gather3A_620 = tpu.vector_load_idx %arg8[%broadcast_in_dim3A_619, %get3A_615] : memref<128x128xf32, #tpu.memory_space<vmem>>[vector<16xi32>, vector<16xi32>], vector<16xf32>,
      %gather3A_621 = tpu.vector_load_idx %arg8[%broadcast_in_dim3A_619, %get3A_618] : memref<128x128xf32, #tpu.memory_space<vmem>>[vector<16xi32>, vector<16xi32>], vector<16xf32>,
      %ge3A_622 = arith.constant 12 : i32
      %ge3A_623 = vector.broadcast %ge3A_622 : i32 to vector<16xi32>
      %ge3A_624 = arith.cmpi sge, %iota3A, %ge3A_623 : vector<16xi32>
      %jit3A_625 = arith.constant 0.000000e+00 : f32
      %broadcast_in_dim3A_626 = vector.broadcast %jit3A_625 : f32 to vector<16xf32>
      %select_n3A_627 = arith.select %ge3A_624, %gather3A_621, %broadcast_in_dim3A_626 : vector<16xi1>, vector<16xf32>
      %add3A_628 = arith.addf %gather3A_620, %select_n3A_627 : vector<16xf32>
      %add3A_629 = arith.constant 7 : i32
      %add3A_630 = arith.addi %mul3A_70, %add3A_629 : i32
      %get3A_631 = arith.index_cast %add3A_630 : i32 to index
      %get3A_632 = arith.constant 0 : index
      %get3A_633 = tpu.vector_load %arg8[%get3A_631, %get3A_632] {strides = array<i32>} : memref<128x128xf32, #tpu.memory_space<vmem>>, vector<16xf32>,
      %get3A_634 = arith.index_cast %add3A_630 : i32 to index
      %get3A_635 = arith.constant 16 : index
      %get3A_636 = tpu.vector_load %arg8[%get3A_634, %get3A_635] {strides = array<i32>} : memref<128x128xf32, #tpu.memory_space<vmem>>, vector<16xf32>,
      %get3A_637 = arith.index_cast %add3A_630 : i32 to index
      %get3A_638 = arith.constant 32 : index
      %get3A_639 = tpu.vector_load %arg8[%get3A_637, %get3A_638] {strides = array<i32>} : memref<128x128xf32, #tpu.memory_space<vmem>>, vector<16xf32>,
      %get3A_640 = arith.index_cast %add3A_630 : i32 to index
      %get3A_641 = arith.constant 48 : index
      %get3A_642 = tpu.vector_load %arg8[%get3A_640, %get3A_641] {strides = array<i32>} : memref<128x128xf32, #tpu.memory_space<vmem>>, vector<16xf32>,
      %get3A_643 = arith.index_cast %add3A_630 : i32 to index
      %get3A_644 = arith.constant 64 : index
      %get3A_645 = tpu.vector_load %arg8[%get3A_643, %get3A_644] {strides = array<i32>} : memref<128x128xf32, #tpu.memory_space<vmem>>, vector<16xf32>,
      %get3A_646 = arith.index_cast %add3A_630 : i32 to index
      %get3A_647 = arith.constant 80 : index
      %get3A_648 = tpu.vector_load %arg8[%get3A_646, %get3A_647] {strides = array<i32>} : memref<128x128xf32, #tpu.memory_space<vmem>>, vector<16xf32>,
      %get3A_649 = arith.index_cast %add3A_630 : i32 to index
      %get3A_650 = arith.constant 96 : index
      %get3A_651 = tpu.vector_load %arg8[%get3A_649, %get3A_650] {strides = array<i32>} : memref<128x128xf32, #tpu.memory_space<vmem>>, vector<16xf32>,
      %get3A_652 = arith.index_cast %add3A_630 : i32 to index
      %get3A_653 = arith.constant 112 : index
      %get3A_654 = tpu.vector_load %arg8[%get3A_652, %get3A_653] {strides = array<i32>} : memref<128x128xf32, #tpu.memory_space<vmem>>, vector<16xf32>,
      %exp3A_655 = math.exp %get3A_633 : vector<16xf32>
      %exp3A_656 = math.exp %get3A_636 : vector<16xf32>
      %exp3A_657 = math.exp %get3A_639 : vector<16xf32>
      %exp3A_658 = math.exp %get3A_642 : vector<16xf32>
      %exp3A_659 = math.exp %get3A_645 : vector<16xf32>
      %exp3A_660 = math.exp %get3A_648 : vector<16xf32>
      %exp3A_661 = math.exp %get3A_651 : vector<16xf32>
      %exp3A_662 = math.exp %get3A_654 : vector<16xf32>
      %add3A_663 = arith.addf %exp3A_655, %exp3A_656 : vector<16xf32>
      %add3A_664 = arith.addf %exp3A_657, %exp3A_658 : vector<16xf32>
      %add3A_665 = arith.addf %exp3A_659, %exp3A_660 : vector<16xf32>
      %add3A_666 = arith.addf %exp3A_661, %exp3A_662 : vector<16xf32>
      %add3A_667 = arith.addf %add3A_663, %add3A_664 : vector<16xf32>
      %add3A_668 = arith.addf %add3A_665, %add3A_666 : vector<16xf32>
      %add3A_669 = arith.addf %add3A_667, %add3A_668 : vector<16xf32>
      %and3A_670 = arith.constant 1 : i32
      %and3A_671 = vector.broadcast %and3A_670 : i32 to vector<16xi32>
      %and3A_672 = arith.andi %iota3A, %and3A_671 : vector<16xi32>
      %eq3A_673 = arith.constant 0 : i32
      %eq3A_674 = vector.broadcast %eq3A_673 : i32 to vector<16xi32>
      %eq3A_675 = arith.cmpi eq, %and3A_672, %eq3A_674 : vector<16xi32>
      %xor3A_676 = arith.constant 1 : i32
      %xor3A_677 = vector.broadcast %xor3A_676 : i32 to vector<16xi32>
      %xor3A_678 = arith.xori %iota3A, %xor3A_677 : vector<16xi32>
      %broadcast_in_dim3A_679 = vector.shape_cast %xor3A_678 : vector<16xi32> to vector<16x1xi32>
      %gather3A_680 = vector.shape_cast %broadcast_in_dim3A_679 : vector<16x1xi32> to vector<16xi32>
      %gather3A_681 = tpu.dynamic_gather %add3A_669[%gather3A_680] in [0] : vector<16xf32>, vector<16xi32> -> vector<16xf32>
      %select_n3A_682 = arith.select %eq3A_675, %add3A_612, %gather3A_681 : vector<16xi1>, vector<16xf32>
      %xor3A_683 = arith.constant 1 : i32
      %xor3A_684 = vector.broadcast %xor3A_683 : i32 to vector<16xi32>
      %xor3A_685 = arith.xori %iota3A, %xor3A_684 : vector<16xi32>
      %broadcast_in_dim3A_686 = vector.shape_cast %xor3A_685 : vector<16xi32> to vector<16x1xi32>
      %gather3A_687 = vector.shape_cast %broadcast_in_dim3A_686 : vector<16x1xi32> to vector<16xi32>
      %gather3A_688 = tpu.dynamic_gather %add3A_612[%gather3A_687] in [0] : vector<16xf32>, vector<16xi32> -> vector<16xf32>
      %select_n3A_689 = arith.select %eq3A_675, %gather3A_688, %add3A_669 : vector<16xi1>, vector<16xf32>
      %add3A_690 = arith.addf %select_n3A_682, %select_n3A_689 : vector<16xf32>
      %and3A_691 = arith.constant 2 : i32
      %and3A_692 = vector.broadcast %and3A_691 : i32 to vector<16xi32>
      %and3A_693 = arith.andi %iota3A, %and3A_692 : vector<16xi32>
      %eq3A_694 = arith.constant 0 : i32
      %eq3A_695 = vector.broadcast %eq3A_694 : i32 to vector<16xi32>
      %eq3A_696 = arith.cmpi eq, %and3A_693, %eq3A_695 : vector<16xi32>
      %xor3A_697 = arith.constant 2 : i32
      %xor3A_698 = vector.broadcast %xor3A_697 : i32 to vector<16xi32>
      %xor3A_699 = arith.xori %iota3A, %xor3A_698 : vector<16xi32>
      %broadcast_in_dim3A_700 = vector.shape_cast %xor3A_699 : vector<16xi32> to vector<16x1xi32>
      %gather3A_701 = vector.shape_cast %broadcast_in_dim3A_700 : vector<16x1xi32> to vector<16xi32>
      %gather3A_702 = tpu.dynamic_gather %add3A_690[%gather3A_701] in [0] : vector<16xf32>, vector<16xi32> -> vector<16xf32>
      %select_n3A_703 = arith.select %eq3A_696, %add3A_534, %gather3A_702 : vector<16xi1>, vector<16xf32>
      %xor3A_704 = arith.constant 2 : i32
      %xor3A_705 = vector.broadcast %xor3A_704 : i32 to vector<16xi32>
      %xor3A_706 = arith.xori %iota3A, %xor3A_705 : vector<16xi32>
      %broadcast_in_dim3A_707 = vector.shape_cast %xor3A_706 : vector<16xi32> to vector<16x1xi32>
      %gather3A_708 = vector.shape_cast %broadcast_in_dim3A_707 : vector<16x1xi32> to vector<16xi32>
      %gather3A_709 = tpu.dynamic_gather %add3A_534[%gather3A_708] in [0] : vector<16xf32>, vector<16xi32> -> vector<16xf32>
      %select_n3A_710 = arith.select %eq3A_696, %gather3A_709, %add3A_690 : vector<16xi1>, vector<16xf32>
      %add3A_711 = arith.addf %select_n3A_703, %select_n3A_710 : vector<16xf32>
      %and3A_712 = arith.constant 4 : i32
      %and3A_713 = vector.broadcast %and3A_712 : i32 to vector<16xi32>
      %and3A_714 = arith.andi %iota3A, %and3A_713 : vector<16xi32>
      %eq3A_715 = arith.constant 0 : i32
      %eq3A_716 = vector.broadcast %eq3A_715 : i32 to vector<16xi32>
      %eq3A_717 = arith.cmpi eq, %and3A_714, %eq3A_716 : vector<16xi32>
      %xor3A_718 = arith.constant 4 : i32
      %xor3A_719 = vector.broadcast %xor3A_718 : i32 to vector<16xi32>
      %xor3A_720 = arith.xori %iota3A, %xor3A_719 : vector<16xi32>
      %broadcast_in_dim3A_721 = vector.shape_cast %xor3A_720 : vector<16xi32> to vector<16x1xi32>
      %gather3A_722 = vector.shape_cast %broadcast_in_dim3A_721 : vector<16x1xi32> to vector<16xi32>
      %gather3A_723 = tpu.dynamic_gather %add3A_711[%gather3A_722] in [0] : vector<16xf32>, vector<16xi32> -> vector<16xf32>
      %select_n3A_724 = arith.select %eq3A_717, %add3A_357, %gather3A_723 : vector<16xi1>, vector<16xf32>
      %xor3A_725 = arith.constant 4 : i32
      %xor3A_726 = vector.broadcast %xor3A_725 : i32 to vector<16xi32>
      %xor3A_727 = arith.xori %iota3A, %xor3A_726 : vector<16xi32>
      %broadcast_in_dim3A_728 = vector.shape_cast %xor3A_727 : vector<16xi32> to vector<16x1xi32>
      %gather3A_729 = vector.shape_cast %broadcast_in_dim3A_728 : vector<16x1xi32> to vector<16xi32>
      %gather3A_730 = tpu.dynamic_gather %add3A_357[%gather3A_729] in [0] : vector<16xf32>, vector<16xi32> -> vector<16xf32>
      %select_n3A_731 = arith.select %eq3A_717, %gather3A_730, %add3A_711 : vector<16xi1>, vector<16xf32>
      %add3A_732 = arith.addf %select_n3A_724, %select_n3A_731 : vector<16xf32>
      %get3A_733 = arith.index_cast %add3A_630 : i32 to index
      %get3A_734 = arith.constant 0 : index
      %get3A_735 = tpu.vector_load %arg7[%get3A_733, %get3A_734] {strides = array<i32>} : memref<128x20xi32, #tpu.memory_space<vmem>>, vector<16xi32>,
      %get3A_736 = arith.index_cast %add3A_630 : i32 to index
      %get3A_737 = arith.constant 4 : index
      %get3A_738 = tpu.vector_load %arg7[%get3A_736, %get3A_737] {strides = array<i32>} : memref<128x20xi32, #tpu.memory_space<vmem>>, vector<16xi32>,
      %broadcast_in_dim3A_739 = vector.broadcast %add3A_630 : i32 to vector<16xi32>
      %gather3A_740 = tpu.vector_load_idx %arg8[%broadcast_in_dim3A_739, %get3A_735] : memref<128x128xf32, #tpu.memory_space<vmem>>[vector<16xi32>, vector<16xi32>], vector<16xf32>,
      %gather3A_741 = tpu.vector_load_idx %arg8[%broadcast_in_dim3A_739, %get3A_738] : memref<128x128xf32, #tpu.memory_space<vmem>>[vector<16xi32>, vector<16xi32>], vector<16xf32>,
      %ge3A_742 = arith.constant 12 : i32
      %ge3A_743 = vector.broadcast %ge3A_742 : i32 to vector<16xi32>
      %ge3A_744 = arith.cmpi sge, %iota3A, %ge3A_743 : vector<16xi32>
      %jit3A_745 = arith.constant 0.000000e+00 : f32
      %broadcast_in_dim3A_746 = vector.broadcast %jit3A_745 : f32 to vector<16xf32>
      %select_n3A_747 = arith.select %ge3A_744, %gather3A_741, %broadcast_in_dim3A_746 : vector<16xi1>, vector<16xf32>
      %add3A_748 = arith.addf %gather3A_740, %select_n3A_747 : vector<16xf32>
      %and3A_749 = arith.constant 1 : i32
      %and3A_750 = vector.broadcast %and3A_749 : i32 to vector<16xi32>
      %and3A_751 = arith.andi %iota3A, %and3A_750 : vector<16xi32>
      %eq3A_752 = arith.constant 0 : i32
      %eq3A_753 = vector.broadcast %eq3A_752 : i32 to vector<16xi32>
      %eq3A_754 = arith.cmpi eq, %and3A_751, %eq3A_753 : vector<16xi32>
      %xor3A_755 = arith.constant 1 : i32
      %xor3A_756 = vector.broadcast %xor3A_755 : i32 to vector<16xi32>
      %xor3A_757 = arith.xori %iota3A, %xor3A_756 : vector<16xi32>
      %broadcast_in_dim3A_758 = vector.shape_cast %xor3A_757 : vector<16xi32> to vector<16x1xi32>
      %gather3A_759 = vector.shape_cast %broadcast_in_dim3A_758 : vector<16x1xi32> to vector<16xi32>
      %gather3A_760 = tpu.dynamic_gather %add3A_748[%gather3A_759] in [0] : vector<16xf32>, vector<16xi32> -> vector<16xf32>
      %select_n3A_761 = arith.select %eq3A_754, %add3A_628, %gather3A_760 : vector<16xi1>, vector<16xf32>
      %xor3A_762 = arith.constant 1 : i32
      %xor3A_763 = vector.broadcast %xor3A_762 : i32 to vector<16xi32>
      %xor3A_764 = arith.xori %iota3A, %xor3A_763 : vector<16xi32>
      %broadcast_in_dim3A_765 = vector.shape_cast %xor3A_764 : vector<16xi32> to vector<16x1xi32>
      %gather3A_766 = vector.shape_cast %broadcast_in_dim3A_765 : vector<16x1xi32> to vector<16xi32>
      %gather3A_767 = tpu.dynamic_gather %add3A_628[%gather3A_766] in [0] : vector<16xf32>, vector<16xi32> -> vector<16xf32>
      %select_n3A_768 = arith.select %eq3A_754, %gather3A_767, %add3A_748 : vector<16xi1>, vector<16xf32>
      %add3A_769 = arith.addf %select_n3A_761, %select_n3A_768 : vector<16xf32>
      %and3A_770 = arith.constant 2 : i32
      %and3A_771 = vector.broadcast %and3A_770 : i32 to vector<16xi32>
      %and3A_772 = arith.andi %iota3A, %and3A_771 : vector<16xi32>
      %eq3A_773 = arith.constant 0 : i32
      %eq3A_774 = vector.broadcast %eq3A_773 : i32 to vector<16xi32>
      %eq3A_775 = arith.cmpi eq, %and3A_772, %eq3A_774 : vector<16xi32>
      %xor3A_776 = arith.constant 2 : i32
      %xor3A_777 = vector.broadcast %xor3A_776 : i32 to vector<16xi32>
      %xor3A_778 = arith.xori %iota3A, %xor3A_777 : vector<16xi32>
      %broadcast_in_dim3A_779 = vector.shape_cast %xor3A_778 : vector<16xi32> to vector<16x1xi32>
      %gather3A_780 = vector.shape_cast %broadcast_in_dim3A_779 : vector<16x1xi32> to vector<16xi32>
      %gather3A_781 = tpu.dynamic_gather %add3A_769[%gather3A_780] in [0] : vector<16xf32>, vector<16xi32> -> vector<16xf32>
      %select_n3A_782 = arith.select %eq3A_775, %add3A_571, %gather3A_781 : vector<16xi1>, vector<16xf32>
      %xor3A_783 = arith.constant 2 : i32
      %xor3A_784 = vector.broadcast %xor3A_783 : i32 to vector<16xi32>
      %xor3A_785 = arith.xori %iota3A, %xor3A_784 : vector<16xi32>
      %broadcast_in_dim3A_786 = vector.shape_cast %xor3A_785 : vector<16xi32> to vector<16x1xi32>
      %gather3A_787 = vector.shape_cast %broadcast_in_dim3A_786 : vector<16x1xi32> to vector<16xi32>
      %gather3A_788 = tpu.dynamic_gather %add3A_571[%gather3A_787] in [0] : vector<16xf32>, vector<16xi32> -> vector<16xf32>
      %select_n3A_789 = arith.select %eq3A_775, %gather3A_788, %add3A_769 : vector<16xi1>, vector<16xf32>
      %add3A_790 = arith.addf %select_n3A_782, %select_n3A_789 : vector<16xf32>
      %and3A_791 = arith.constant 4 : i32
      %and3A_792 = vector.broadcast %and3A_791 : i32 to vector<16xi32>
      %and3A_793 = arith.andi %iota3A, %and3A_792 : vector<16xi32>
      %eq3A_794 = arith.constant 0 : i32
      %eq3A_795 = vector.broadcast %eq3A_794 : i32 to vector<16xi32>
      %eq3A_796 = arith.cmpi eq, %and3A_793, %eq3A_795 : vector<16xi32>
      %xor3A_797 = arith.constant 4 : i32
      %xor3A_798 = vector.broadcast %xor3A_797 : i32 to vector<16xi32>
      %xor3A_799 = arith.xori %iota3A, %xor3A_798 : vector<16xi32>
      %broadcast_in_dim3A_800 = vector.shape_cast %xor3A_799 : vector<16xi32> to vector<16x1xi32>
      %gather3A_801 = vector.shape_cast %broadcast_in_dim3A_800 : vector<16x1xi32> to vector<16xi32>
      %gather3A_802 = tpu.dynamic_gather %add3A_790[%gather3A_801] in [0] : vector<16xf32>, vector<16xi32> -> vector<16xf32>
      %select_n3A_803 = arith.select %eq3A_796, %add3A_415, %gather3A_802 : vector<16xi1>, vector<16xf32>
      %xor3A_804 = arith.constant 4 : i32
      %xor3A_805 = vector.broadcast %xor3A_804 : i32 to vector<16xi32>
      %xor3A_806 = arith.xori %iota3A, %xor3A_805 : vector<16xi32>
      %broadcast_in_dim3A_807 = vector.shape_cast %xor3A_806 : vector<16xi32> to vector<16x1xi32>
      %gather3A_808 = vector.shape_cast %broadcast_in_dim3A_807 : vector<16x1xi32> to vector<16xi32>
      %gather3A_809 = tpu.dynamic_gather %add3A_415[%gather3A_808] in [0] : vector<16xf32>, vector<16xi32> -> vector<16xf32>
      %select_n3A_810 = arith.select %eq3A_796, %gather3A_809, %add3A_790 : vector<16xi1>, vector<16xf32>
      %add3A_811 = arith.addf %select_n3A_803, %select_n3A_810 : vector<16xf32>
      %add3A_812 = arith.constant 8 : i32
      %add3A_813 = arith.addi %mul3A_70, %add3A_812 : i32
      %get3A_814 = arith.index_cast %add3A_813 : i32 to index
      %get3A_815 = arith.constant 0 : index
      %get3A_816 = tpu.vector_load %arg8[%get3A_814, %get3A_815] {strides = array<i32>} : memref<128x128xf32, #tpu.memory_space<vmem>>, vector<16xf32>,
      %get3A_817 = arith.index_cast %add3A_813 : i32 to index
      %get3A_818 = arith.constant 16 : index
      %get3A_819 = tpu.vector_load %arg8[%get3A_817, %get3A_818] {strides = array<i32>} : memref<128x128xf32, #tpu.memory_space<vmem>>, vector<16xf32>,
      %get3A_820 = arith.index_cast %add3A_813 : i32 to index
      %get3A_821 = arith.constant 32 : index
      %get3A_822 = tpu.vector_load %arg8[%get3A_820, %get3A_821] {strides = array<i32>} : memref<128x128xf32, #tpu.memory_space<vmem>>, vector<16xf32>,
      %get3A_823 = arith.index_cast %add3A_813 : i32 to index
      %get3A_824 = arith.constant 48 : index
      %get3A_825 = tpu.vector_load %arg8[%get3A_823, %get3A_824] {strides = array<i32>} : memref<128x128xf32, #tpu.memory_space<vmem>>, vector<16xf32>,
      %get3A_826 = arith.index_cast %add3A_813 : i32 to index
      %get3A_827 = arith.constant 64 : index
      %get3A_828 = tpu.vector_load %arg8[%get3A_826, %get3A_827] {strides = array<i32>} : memref<128x128xf32, #tpu.memory_space<vmem>>, vector<16xf32>,
      %get3A_829 = arith.index_cast %add3A_813 : i32 to index
      %get3A_830 = arith.constant 80 : index
      %get3A_831 = tpu.vector_load %arg8[%get3A_829, %get3A_830] {strides = array<i32>} : memref<128x128xf32, #tpu.memory_space<vmem>>, vector<16xf32>,
      %get3A_832 = arith.index_cast %add3A_813 : i32 to index
      %get3A_833 = arith.constant 96 : index
      %get3A_834 = tpu.vector_load %arg8[%get3A_832, %get3A_833] {strides = array<i32>} : memref<128x128xf32, #tpu.memory_space<vmem>>, vector<16xf32>,
      %get3A_835 = arith.index_cast %add3A_813 : i32 to index
      %get3A_836 = arith.constant 112 : index
      %get3A_837 = tpu.vector_load %arg8[%get3A_835, %get3A_836] {strides = array<i32>} : memref<128x128xf32, #tpu.memory_space<vmem>>, vector<16xf32>,
      %exp3A_838 = math.exp %get3A_816 : vector<16xf32>
      %exp3A_839 = math.exp %get3A_819 : vector<16xf32>
      %exp3A_840 = math.exp %get3A_822 : vector<16xf32>
      %exp3A_841 = math.exp %get3A_825 : vector<16xf32>
      %exp3A_842 = math.exp %get3A_828 : vector<16xf32>
      %exp3A_843 = math.exp %get3A_831 : vector<16xf32>
      %exp3A_844 = math.exp %get3A_834 : vector<16xf32>
      %exp3A_845 = math.exp %get3A_837 : vector<16xf32>
      %add3A_846 = arith.addf %exp3A_838, %exp3A_839 : vector<16xf32>
      %add3A_847 = arith.addf %exp3A_840, %exp3A_841 : vector<16xf32>
      %add3A_848 = arith.addf %exp3A_842, %exp3A_843 : vector<16xf32>
      %add3A_849 = arith.addf %exp3A_844, %exp3A_845 : vector<16xf32>
      %add3A_850 = arith.addf %add3A_846, %add3A_847 : vector<16xf32>
      %add3A_851 = arith.addf %add3A_848, %add3A_849 : vector<16xf32>
      %add3A_852 = arith.addf %add3A_850, %add3A_851 : vector<16xf32>
      %get3A_853 = arith.index_cast %add3A_813 : i32 to index
      %get3A_854 = arith.constant 0 : index
      %get3A_855 = tpu.vector_load %arg7[%get3A_853, %get3A_854] {strides = array<i32>} : memref<128x20xi32, #tpu.memory_space<vmem>>, vector<16xi32>,
      %get3A_856 = arith.index_cast %add3A_813 : i32 to index
      %get3A_857 = arith.constant 4 : index
      %get3A_858 = tpu.vector_load %arg7[%get3A_856, %get3A_857] {strides = array<i32>} : memref<128x20xi32, #tpu.memory_space<vmem>>, vector<16xi32>,
      %broadcast_in_dim3A_859 = vector.broadcast %add3A_813 : i32 to vector<16xi32>
      %gather3A_860 = tpu.vector_load_idx %arg8[%broadcast_in_dim3A_859, %get3A_855] : memref<128x128xf32, #tpu.memory_space<vmem>>[vector<16xi32>, vector<16xi32>], vector<16xf32>,
      %gather3A_861 = tpu.vector_load_idx %arg8[%broadcast_in_dim3A_859, %get3A_858] : memref<128x128xf32, #tpu.memory_space<vmem>>[vector<16xi32>, vector<16xi32>], vector<16xf32>,
      %ge3A_862 = arith.constant 12 : i32
      %ge3A_863 = vector.broadcast %ge3A_862 : i32 to vector<16xi32>
      %ge3A_864 = arith.cmpi sge, %iota3A, %ge3A_863 : vector<16xi32>
      %jit3A_865 = arith.constant 0.000000e+00 : f32
      %broadcast_in_dim3A_866 = vector.broadcast %jit3A_865 : f32 to vector<16xf32>
      %select_n3A_867 = arith.select %ge3A_864, %gather3A_861, %broadcast_in_dim3A_866 : vector<16xi1>, vector<16xf32>
      %add3A_868 = arith.addf %gather3A_860, %select_n3A_867 : vector<16xf32>
      %add3A_869 = arith.constant 9 : i32
      %add3A_870 = arith.addi %mul3A_70, %add3A_869 : i32
      %get3A_871 = arith.index_cast %add3A_870 : i32 to index
      %get3A_872 = arith.constant 0 : index
      %get3A_873 = tpu.vector_load %arg8[%get3A_871, %get3A_872] {strides = array<i32>} : memref<128x128xf32, #tpu.memory_space<vmem>>, vector<16xf32>,
      %get3A_874 = arith.index_cast %add3A_870 : i32 to index
      %get3A_875 = arith.constant 16 : index
      %get3A_876 = tpu.vector_load %arg8[%get3A_874, %get3A_875] {strides = array<i32>} : memref<128x128xf32, #tpu.memory_space<vmem>>, vector<16xf32>,
      %get3A_877 = arith.index_cast %add3A_870 : i32 to index
      %get3A_878 = arith.constant 32 : index
      %get3A_879 = tpu.vector_load %arg8[%get3A_877, %get3A_878] {strides = array<i32>} : memref<128x128xf32, #tpu.memory_space<vmem>>, vector<16xf32>,
      %get3A_880 = arith.index_cast %add3A_870 : i32 to index
      %get3A_881 = arith.constant 48 : index
      %get3A_882 = tpu.vector_load %arg8[%get3A_880, %get3A_881] {strides = array<i32>} : memref<128x128xf32, #tpu.memory_space<vmem>>, vector<16xf32>,
      %get3A_883 = arith.index_cast %add3A_870 : i32 to index
      %get3A_884 = arith.constant 64 : index
      %get3A_885 = tpu.vector_load %arg8[%get3A_883, %get3A_884] {strides = array<i32>} : memref<128x128xf32, #tpu.memory_space<vmem>>, vector<16xf32>,
      %get3A_886 = arith.index_cast %add3A_870 : i32 to index
      %get3A_887 = arith.constant 80 : index
      %get3A_888 = tpu.vector_load %arg8[%get3A_886, %get3A_887] {strides = array<i32>} : memref<128x128xf32, #tpu.memory_space<vmem>>, vector<16xf32>,
      %get3A_889 = arith.index_cast %add3A_870 : i32 to index
      %get3A_890 = arith.constant 96 : index
      %get3A_891 = tpu.vector_load %arg8[%get3A_889, %get3A_890] {strides = array<i32>} : memref<128x128xf32, #tpu.memory_space<vmem>>, vector<16xf32>,
      %get3A_892 = arith.index_cast %add3A_870 : i32 to index
      %get3A_893 = arith.constant 112 : index
      %get3A_894 = tpu.vector_load %arg8[%get3A_892, %get3A_893] {strides = array<i32>} : memref<128x128xf32, #tpu.memory_space<vmem>>, vector<16xf32>,
      %exp3A_895 = math.exp %get3A_873 : vector<16xf32>
      %exp3A_896 = math.exp %get3A_876 : vector<16xf32>
      %exp3A_897 = math.exp %get3A_879 : vector<16xf32>
      %exp3A_898 = math.exp %get3A_882 : vector<16xf32>
      %exp3A_899 = math.exp %get3A_885 : vector<16xf32>
      %exp3A_900 = math.exp %get3A_888 : vector<16xf32>
      %exp3A_901 = math.exp %get3A_891 : vector<16xf32>
      %exp3A_902 = math.exp %get3A_894 : vector<16xf32>
      %add3A_903 = arith.addf %exp3A_895, %exp3A_896 : vector<16xf32>
      %add3A_904 = arith.addf %exp3A_897, %exp3A_898 : vector<16xf32>
      %add3A_905 = arith.addf %exp3A_899, %exp3A_900 : vector<16xf32>
      %add3A_906 = arith.addf %exp3A_901, %exp3A_902 : vector<16xf32>
      %add3A_907 = arith.addf %add3A_903, %add3A_904 : vector<16xf32>
      %add3A_908 = arith.addf %add3A_905, %add3A_906 : vector<16xf32>
      %add3A_909 = arith.addf %add3A_907, %add3A_908 : vector<16xf32>
      %and3A_910 = arith.constant 1 : i32
      %and3A_911 = vector.broadcast %and3A_910 : i32 to vector<16xi32>
      %and3A_912 = arith.andi %iota3A, %and3A_911 : vector<16xi32>
      %eq3A_913 = arith.constant 0 : i32
      %eq3A_914 = vector.broadcast %eq3A_913 : i32 to vector<16xi32>
      %eq3A_915 = arith.cmpi eq, %and3A_912, %eq3A_914 : vector<16xi32>
      %xor3A_916 = arith.constant 1 : i32
      %xor3A_917 = vector.broadcast %xor3A_916 : i32 to vector<16xi32>
      %xor3A_918 = arith.xori %iota3A, %xor3A_917 : vector<16xi32>
      %broadcast_in_dim3A_919 = vector.shape_cast %xor3A_918 : vector<16xi32> to vector<16x1xi32>
      %gather3A_920 = vector.shape_cast %broadcast_in_dim3A_919 : vector<16x1xi32> to vector<16xi32>
      %gather3A_921 = tpu.dynamic_gather %add3A_909[%gather3A_920] in [0] : vector<16xf32>, vector<16xi32> -> vector<16xf32>
      %select_n3A_922 = arith.select %eq3A_915, %add3A_852, %gather3A_921 : vector<16xi1>, vector<16xf32>
      %xor3A_923 = arith.constant 1 : i32
      %xor3A_924 = vector.broadcast %xor3A_923 : i32 to vector<16xi32>
      %xor3A_925 = arith.xori %iota3A, %xor3A_924 : vector<16xi32>
      %broadcast_in_dim3A_926 = vector.shape_cast %xor3A_925 : vector<16xi32> to vector<16x1xi32>
      %gather3A_927 = vector.shape_cast %broadcast_in_dim3A_926 : vector<16x1xi32> to vector<16xi32>
      %gather3A_928 = tpu.dynamic_gather %add3A_852[%gather3A_927] in [0] : vector<16xf32>, vector<16xi32> -> vector<16xf32>
      %select_n3A_929 = arith.select %eq3A_915, %gather3A_928, %add3A_909 : vector<16xi1>, vector<16xf32>
      %add3A_930 = arith.addf %select_n3A_922, %select_n3A_929 : vector<16xf32>
      %get3A_931 = arith.index_cast %add3A_870 : i32 to index
      %get3A_932 = arith.constant 0 : index
      %get3A_933 = tpu.vector_load %arg7[%get3A_931, %get3A_932] {strides = array<i32>} : memref<128x20xi32, #tpu.memory_space<vmem>>, vector<16xi32>,
      %get3A_934 = arith.index_cast %add3A_870 : i32 to index
      %get3A_935 = arith.constant 4 : index
      %get3A_936 = tpu.vector_load %arg7[%get3A_934, %get3A_935] {strides = array<i32>} : memref<128x20xi32, #tpu.memory_space<vmem>>, vector<16xi32>,
      %broadcast_in_dim3A_937 = vector.broadcast %add3A_870 : i32 to vector<16xi32>
      %gather3A_938 = tpu.vector_load_idx %arg8[%broadcast_in_dim3A_937, %get3A_933] : memref<128x128xf32, #tpu.memory_space<vmem>>[vector<16xi32>, vector<16xi32>], vector<16xf32>,
      %gather3A_939 = tpu.vector_load_idx %arg8[%broadcast_in_dim3A_937, %get3A_936] : memref<128x128xf32, #tpu.memory_space<vmem>>[vector<16xi32>, vector<16xi32>], vector<16xf32>,
      %ge3A_940 = arith.constant 12 : i32
      %ge3A_941 = vector.broadcast %ge3A_940 : i32 to vector<16xi32>
      %ge3A_942 = arith.cmpi sge, %iota3A, %ge3A_941 : vector<16xi32>
      %jit3A_943 = arith.constant 0.000000e+00 : f32
      %broadcast_in_dim3A_944 = vector.broadcast %jit3A_943 : f32 to vector<16xf32>
      %select_n3A_945 = arith.select %ge3A_942, %gather3A_939, %broadcast_in_dim3A_944 : vector<16xi1>, vector<16xf32>
      %add3A_946 = arith.addf %gather3A_938, %select_n3A_945 : vector<16xf32>
      %and3A_947 = arith.constant 1 : i32
      %and3A_948 = vector.broadcast %and3A_947 : i32 to vector<16xi32>
      %and3A_949 = arith.andi %iota3A, %and3A_948 : vector<16xi32>
      %eq3A_950 = arith.constant 0 : i32
      %eq3A_951 = vector.broadcast %eq3A_950 : i32 to vector<16xi32>
      %eq3A_952 = arith.cmpi eq, %and3A_949, %eq3A_951 : vector<16xi32>
      %xor3A_953 = arith.constant 1 : i32
      %xor3A_954 = vector.broadcast %xor3A_953 : i32 to vector<16xi32>
      %xor3A_955 = arith.xori %iota3A, %xor3A_954 : vector<16xi32>
      %broadcast_in_dim3A_956 = vector.shape_cast %xor3A_955 : vector<16xi32> to vector<16x1xi32>
      %gather3A_957 = vector.shape_cast %broadcast_in_dim3A_956 : vector<16x1xi32> to vector<16xi32>
      %gather3A_958 = tpu.dynamic_gather %add3A_946[%gather3A_957] in [0] : vector<16xf32>, vector<16xi32> -> vector<16xf32>
      %select_n3A_959 = arith.select %eq3A_952, %add3A_868, %gather3A_958 : vector<16xi1>, vector<16xf32>
      %xor3A_960 = arith.constant 1 : i32
      %xor3A_961 = vector.broadcast %xor3A_960 : i32 to vector<16xi32>
      %xor3A_962 = arith.xori %iota3A, %xor3A_961 : vector<16xi32>
      %broadcast_in_dim3A_963 = vector.shape_cast %xor3A_962 : vector<16xi32> to vector<16x1xi32>
      %gather3A_964 = vector.shape_cast %broadcast_in_dim3A_963 : vector<16x1xi32> to vector<16xi32>
      %gather3A_965 = tpu.dynamic_gather %add3A_868[%gather3A_964] in [0] : vector<16xf32>, vector<16xi32> -> vector<16xf32>
      %select_n3A_966 = arith.select %eq3A_952, %gather3A_965, %add3A_946 : vector<16xi1>, vector<16xf32>
      %add3A_967 = arith.addf %select_n3A_959, %select_n3A_966 : vector<16xf32>
      %add3A_968 = arith.constant 10 : i32
      %add3A_969 = arith.addi %mul3A_70, %add3A_968 : i32
      %get3A_970 = arith.index_cast %add3A_969 : i32 to index
      %get3A_971 = arith.constant 0 : index
      %get3A_972 = tpu.vector_load %arg8[%get3A_970, %get3A_971] {strides = array<i32>} : memref<128x128xf32, #tpu.memory_space<vmem>>, vector<16xf32>,
      %get3A_973 = arith.index_cast %add3A_969 : i32 to index
      %get3A_974 = arith.constant 16 : index
      %get3A_975 = tpu.vector_load %arg8[%get3A_973, %get3A_974] {strides = array<i32>} : memref<128x128xf32, #tpu.memory_space<vmem>>, vector<16xf32>,
      %get3A_976 = arith.index_cast %add3A_969 : i32 to index
      %get3A_977 = arith.constant 32 : index
      %get3A_978 = tpu.vector_load %arg8[%get3A_976, %get3A_977] {strides = array<i32>} : memref<128x128xf32, #tpu.memory_space<vmem>>, vector<16xf32>,
      %get3A_979 = arith.index_cast %add3A_969 : i32 to index
      %get3A_980 = arith.constant 48 : index
      %get3A_981 = tpu.vector_load %arg8[%get3A_979, %get3A_980] {strides = array<i32>} : memref<128x128xf32, #tpu.memory_space<vmem>>, vector<16xf32>,
      %get3A_982 = arith.index_cast %add3A_969 : i32 to index
      %get3A_983 = arith.constant 64 : index
      %get3A_984 = tpu.vector_load %arg8[%get3A_982, %get3A_983] {strides = array<i32>} : memref<128x128xf32, #tpu.memory_space<vmem>>, vector<16xf32>,
      %get3A_985 = arith.index_cast %add3A_969 : i32 to index
      %get3A_986 = arith.constant 80 : index
      %get3A_987 = tpu.vector_load %arg8[%get3A_985, %get3A_986] {strides = array<i32>} : memref<128x128xf32, #tpu.memory_space<vmem>>, vector<16xf32>,
      %get3A_988 = arith.index_cast %add3A_969 : i32 to index
      %get3A_989 = arith.constant 96 : index
      %get3A_990 = tpu.vector_load %arg8[%get3A_988, %get3A_989] {strides = array<i32>} : memref<128x128xf32, #tpu.memory_space<vmem>>, vector<16xf32>,
      %get3A_991 = arith.index_cast %add3A_969 : i32 to index
      %get3A_992 = arith.constant 112 : index
      %get3A_993 = tpu.vector_load %arg8[%get3A_991, %get3A_992] {strides = array<i32>} : memref<128x128xf32, #tpu.memory_space<vmem>>, vector<16xf32>,
      %exp3A_994 = math.exp %get3A_972 : vector<16xf32>
      %exp3A_995 = math.exp %get3A_975 : vector<16xf32>
      %exp3A_996 = math.exp %get3A_978 : vector<16xf32>
      %exp3A_997 = math.exp %get3A_981 : vector<16xf32>
      %exp3A_998 = math.exp %get3A_984 : vector<16xf32>
      %exp3A_999 = math.exp %get3A_987 : vector<16xf32>
      %exp3A_1000 = math.exp %get3A_990 : vector<16xf32>
      %exp3A_1001 = math.exp %get3A_993 : vector<16xf32>
      %add3A_1002 = arith.addf %exp3A_994, %exp3A_995 : vector<16xf32>
      %add3A_1003 = arith.addf %exp3A_996, %exp3A_997 : vector<16xf32>
      %add3A_1004 = arith.addf %exp3A_998, %exp3A_999 : vector<16xf32>
      %add3A_1005 = arith.addf %exp3A_1000, %exp3A_1001 : vector<16xf32>
      %add3A_1006 = arith.addf %add3A_1002, %add3A_1003 : vector<16xf32>
      %add3A_1007 = arith.addf %add3A_1004, %add3A_1005 : vector<16xf32>
      %add3A_1008 = arith.addf %add3A_1006, %add3A_1007 : vector<16xf32>
      %get3A_1009 = arith.index_cast %add3A_969 : i32 to index
      %get3A_1010 = arith.constant 0 : index
      %get3A_1011 = tpu.vector_load %arg7[%get3A_1009, %get3A_1010] {strides = array<i32>} : memref<128x20xi32, #tpu.memory_space<vmem>>, vector<16xi32>,
      %get3A_1012 = arith.index_cast %add3A_969 : i32 to index
      %get3A_1013 = arith.constant 4 : index
      %get3A_1014 = tpu.vector_load %arg7[%get3A_1012, %get3A_1013] {strides = array<i32>} : memref<128x20xi32, #tpu.memory_space<vmem>>, vector<16xi32>,
      %broadcast_in_dim3A_1015 = vector.broadcast %add3A_969 : i32 to vector<16xi32>
      %gather3A_1016 = tpu.vector_load_idx %arg8[%broadcast_in_dim3A_1015, %get3A_1011] : memref<128x128xf32, #tpu.memory_space<vmem>>[vector<16xi32>, vector<16xi32>], vector<16xf32>,
      %gather3A_1017 = tpu.vector_load_idx %arg8[%broadcast_in_dim3A_1015, %get3A_1014] : memref<128x128xf32, #tpu.memory_space<vmem>>[vector<16xi32>, vector<16xi32>], vector<16xf32>,
      %ge3A_1018 = arith.constant 12 : i32
      %ge3A_1019 = vector.broadcast %ge3A_1018 : i32 to vector<16xi32>
      %ge3A_1020 = arith.cmpi sge, %iota3A, %ge3A_1019 : vector<16xi32>
      %jit3A_1021 = arith.constant 0.000000e+00 : f32
      %broadcast_in_dim3A_1022 = vector.broadcast %jit3A_1021 : f32 to vector<16xf32>
      %select_n3A_1023 = arith.select %ge3A_1020, %gather3A_1017, %broadcast_in_dim3A_1022 : vector<16xi1>, vector<16xf32>
      %add3A_1024 = arith.addf %gather3A_1016, %select_n3A_1023 : vector<16xf32>
      %add3A_1025 = arith.constant 11 : i32
      %add3A_1026 = arith.addi %mul3A_70, %add3A_1025 : i32
      %get3A_1027 = arith.index_cast %add3A_1026 : i32 to index
      %get3A_1028 = arith.constant 0 : index
      %get3A_1029 = tpu.vector_load %arg8[%get3A_1027, %get3A_1028] {strides = array<i32>} : memref<128x128xf32, #tpu.memory_space<vmem>>, vector<16xf32>,
      %get3A_1030 = arith.index_cast %add3A_1026 : i32 to index
      %get3A_1031 = arith.constant 16 : index
      %get3A_1032 = tpu.vector_load %arg8[%get3A_1030, %get3A_1031] {strides = array<i32>} : memref<128x128xf32, #tpu.memory_space<vmem>>, vector<16xf32>,
      %get3A_1033 = arith.index_cast %add3A_1026 : i32 to index
      %get3A_1034 = arith.constant 32 : index
      %get3A_1035 = tpu.vector_load %arg8[%get3A_1033, %get3A_1034] {strides = array<i32>} : memref<128x128xf32, #tpu.memory_space<vmem>>, vector<16xf32>,
      %get3A_1036 = arith.index_cast %add3A_1026 : i32 to index
      %get3A_1037 = arith.constant 48 : index
      %get3A_1038 = tpu.vector_load %arg8[%get3A_1036, %get3A_1037] {strides = array<i32>} : memref<128x128xf32, #tpu.memory_space<vmem>>, vector<16xf32>,
      %get3A_1039 = arith.index_cast %add3A_1026 : i32 to index
      %get3A_1040 = arith.constant 64 : index
      %get3A_1041 = tpu.vector_load %arg8[%get3A_1039, %get3A_1040] {strides = array<i32>} : memref<128x128xf32, #tpu.memory_space<vmem>>, vector<16xf32>,
      %get3A_1042 = arith.index_cast %add3A_1026 : i32 to index
      %get3A_1043 = arith.constant 80 : index
      %get3A_1044 = tpu.vector_load %arg8[%get3A_1042, %get3A_1043] {strides = array<i32>} : memref<128x128xf32, #tpu.memory_space<vmem>>, vector<16xf32>,
      %get3A_1045 = arith.index_cast %add3A_1026 : i32 to index
      %get3A_1046 = arith.constant 96 : index
      %get3A_1047 = tpu.vector_load %arg8[%get3A_1045, %get3A_1046] {strides = array<i32>} : memref<128x128xf32, #tpu.memory_space<vmem>>, vector<16xf32>,
      %get3A_1048 = arith.index_cast %add3A_1026 : i32 to index
      %get3A_1049 = arith.constant 112 : index
      %get3A_1050 = tpu.vector_load %arg8[%get3A_1048, %get3A_1049] {strides = array<i32>} : memref<128x128xf32, #tpu.memory_space<vmem>>, vector<16xf32>,
      %exp3A_1051 = math.exp %get3A_1029 : vector<16xf32>
      %exp3A_1052 = math.exp %get3A_1032 : vector<16xf32>
      %exp3A_1053 = math.exp %get3A_1035 : vector<16xf32>
      %exp3A_1054 = math.exp %get3A_1038 : vector<16xf32>
      %exp3A_1055 = math.exp %get3A_1041 : vector<16xf32>
      %exp3A_1056 = math.exp %get3A_1044 : vector<16xf32>
      %exp3A_1057 = math.exp %get3A_1047 : vector<16xf32>
      %exp3A_1058 = math.exp %get3A_1050 : vector<16xf32>
      %add3A_1059 = arith.addf %exp3A_1051, %exp3A_1052 : vector<16xf32>
      %add3A_1060 = arith.addf %exp3A_1053, %exp3A_1054 : vector<16xf32>
      %add3A_1061 = arith.addf %exp3A_1055, %exp3A_1056 : vector<16xf32>
      %add3A_1062 = arith.addf %exp3A_1057, %exp3A_1058 : vector<16xf32>
      %add3A_1063 = arith.addf %add3A_1059, %add3A_1060 : vector<16xf32>
      %add3A_1064 = arith.addf %add3A_1061, %add3A_1062 : vector<16xf32>
      %add3A_1065 = arith.addf %add3A_1063, %add3A_1064 : vector<16xf32>
      %and3A_1066 = arith.constant 1 : i32
      %and3A_1067 = vector.broadcast %and3A_1066 : i32 to vector<16xi32>
      %and3A_1068 = arith.andi %iota3A, %and3A_1067 : vector<16xi32>
      %eq3A_1069 = arith.constant 0 : i32
      %eq3A_1070 = vector.broadcast %eq3A_1069 : i32 to vector<16xi32>
      %eq3A_1071 = arith.cmpi eq, %and3A_1068, %eq3A_1070 : vector<16xi32>
      %xor3A_1072 = arith.constant 1 : i32
      %xor3A_1073 = vector.broadcast %xor3A_1072 : i32 to vector<16xi32>
      %xor3A_1074 = arith.xori %iota3A, %xor3A_1073 : vector<16xi32>
      %broadcast_in_dim3A_1075 = vector.shape_cast %xor3A_1074 : vector<16xi32> to vector<16x1xi32>
      %gather3A_1076 = vector.shape_cast %broadcast_in_dim3A_1075 : vector<16x1xi32> to vector<16xi32>
      %gather3A_1077 = tpu.dynamic_gather %add3A_1065[%gather3A_1076] in [0] : vector<16xf32>, vector<16xi32> -> vector<16xf32>
      %select_n3A_1078 = arith.select %eq3A_1071, %add3A_1008, %gather3A_1077 : vector<16xi1>, vector<16xf32>
      %xor3A_1079 = arith.constant 1 : i32
      %xor3A_1080 = vector.broadcast %xor3A_1079 : i32 to vector<16xi32>
      %xor3A_1081 = arith.xori %iota3A, %xor3A_1080 : vector<16xi32>
      %broadcast_in_dim3A_1082 = vector.shape_cast %xor3A_1081 : vector<16xi32> to vector<16x1xi32>
      %gather3A_1083 = vector.shape_cast %broadcast_in_dim3A_1082 : vector<16x1xi32> to vector<16xi32>
      %gather3A_1084 = tpu.dynamic_gather %add3A_1008[%gather3A_1083] in [0] : vector<16xf32>, vector<16xi32> -> vector<16xf32>
      %select_n3A_1085 = arith.select %eq3A_1071, %gather3A_1084, %add3A_1065 : vector<16xi1>, vector<16xf32>
      %add3A_1086 = arith.addf %select_n3A_1078, %select_n3A_1085 : vector<16xf32>
      %and3A_1087 = arith.constant 2 : i32
      %and3A_1088 = vector.broadcast %and3A_1087 : i32 to vector<16xi32>
      %and3A_1089 = arith.andi %iota3A, %and3A_1088 : vector<16xi32>
      %eq3A_1090 = arith.constant 0 : i32
      %eq3A_1091 = vector.broadcast %eq3A_1090 : i32 to vector<16xi32>
      %eq3A_1092 = arith.cmpi eq, %and3A_1089, %eq3A_1091 : vector<16xi32>
      %xor3A_1093 = arith.constant 2 : i32
      %xor3A_1094 = vector.broadcast %xor3A_1093 : i32 to vector<16xi32>
      %xor3A_1095 = arith.xori %iota3A, %xor3A_1094 : vector<16xi32>
      %broadcast_in_dim3A_1096 = vector.shape_cast %xor3A_1095 : vector<16xi32> to vector<16x1xi32>
      %gather3A_1097 = vector.shape_cast %broadcast_in_dim3A_1096 : vector<16x1xi32> to vector<16xi32>
      %gather3A_1098 = tpu.dynamic_gather %add3A_1086[%gather3A_1097] in [0] : vector<16xf32>, vector<16xi32> -> vector<16xf32>
      %select_n3A_1099 = arith.select %eq3A_1092, %add3A_930, %gather3A_1098 : vector<16xi1>, vector<16xf32>
      %xor3A_1100 = arith.constant 2 : i32
      %xor3A_1101 = vector.broadcast %xor3A_1100 : i32 to vector<16xi32>
      %xor3A_1102 = arith.xori %iota3A, %xor3A_1101 : vector<16xi32>
      %broadcast_in_dim3A_1103 = vector.shape_cast %xor3A_1102 : vector<16xi32> to vector<16x1xi32>
      %gather3A_1104 = vector.shape_cast %broadcast_in_dim3A_1103 : vector<16x1xi32> to vector<16xi32>
      %gather3A_1105 = tpu.dynamic_gather %add3A_930[%gather3A_1104] in [0] : vector<16xf32>, vector<16xi32> -> vector<16xf32>
      %select_n3A_1106 = arith.select %eq3A_1092, %gather3A_1105, %add3A_1086 : vector<16xi1>, vector<16xf32>
      %add3A_1107 = arith.addf %select_n3A_1099, %select_n3A_1106 : vector<16xf32>
      %get3A_1108 = arith.index_cast %add3A_1026 : i32 to index
      %get3A_1109 = arith.constant 0 : index
      %get3A_1110 = tpu.vector_load %arg7[%get3A_1108, %get3A_1109] {strides = array<i32>} : memref<128x20xi32, #tpu.memory_space<vmem>>, vector<16xi32>,
      %get3A_1111 = arith.index_cast %add3A_1026 : i32 to index
      %get3A_1112 = arith.constant 4 : index
      %get3A_1113 = tpu.vector_load %arg7[%get3A_1111, %get3A_1112] {strides = array<i32>} : memref<128x20xi32, #tpu.memory_space<vmem>>, vector<16xi32>,
      %broadcast_in_dim3A_1114 = vector.broadcast %add3A_1026 : i32 to vector<16xi32>
      %gather3A_1115 = tpu.vector_load_idx %arg8[%broadcast_in_dim3A_1114, %get3A_1110] : memref<128x128xf32, #tpu.memory_space<vmem>>[vector<16xi32>, vector<16xi32>], vector<16xf32>,
      %gather3A_1116 = tpu.vector_load_idx %arg8[%broadcast_in_dim3A_1114, %get3A_1113] : memref<128x128xf32, #tpu.memory_space<vmem>>[vector<16xi32>, vector<16xi32>], vector<16xf32>,
      %ge3A_1117 = arith.constant 12 : i32
      %ge3A_1118 = vector.broadcast %ge3A_1117 : i32 to vector<16xi32>
      %ge3A_1119 = arith.cmpi sge, %iota3A, %ge3A_1118 : vector<16xi32>
      %jit3A_1120 = arith.constant 0.000000e+00 : f32
      %broadcast_in_dim3A_1121 = vector.broadcast %jit3A_1120 : f32 to vector<16xf32>
      %select_n3A_1122 = arith.select %ge3A_1119, %gather3A_1116, %broadcast_in_dim3A_1121 : vector<16xi1>, vector<16xf32>
      %add3A_1123 = arith.addf %gather3A_1115, %select_n3A_1122 : vector<16xf32>
      %and3A_1124 = arith.constant 1 : i32
      %and3A_1125 = vector.broadcast %and3A_1124 : i32 to vector<16xi32>
      %and3A_1126 = arith.andi %iota3A, %and3A_1125 : vector<16xi32>
      %eq3A_1127 = arith.constant 0 : i32
      %eq3A_1128 = vector.broadcast %eq3A_1127 : i32 to vector<16xi32>
      %eq3A_1129 = arith.cmpi eq, %and3A_1126, %eq3A_1128 : vector<16xi32>
      %xor3A_1130 = arith.constant 1 : i32
      %xor3A_1131 = vector.broadcast %xor3A_1130 : i32 to vector<16xi32>
      %xor3A_1132 = arith.xori %iota3A, %xor3A_1131 : vector<16xi32>
      %broadcast_in_dim3A_1133 = vector.shape_cast %xor3A_1132 : vector<16xi32> to vector<16x1xi32>
      %gather3A_1134 = vector.shape_cast %broadcast_in_dim3A_1133 : vector<16x1xi32> to vector<16xi32>
      %gather3A_1135 = tpu.dynamic_gather %add3A_1123[%gather3A_1134] in [0] : vector<16xf32>, vector<16xi32> -> vector<16xf32>
      %select_n3A_1136 = arith.select %eq3A_1129, %add3A_1024, %gather3A_1135 : vector<16xi1>, vector<16xf32>
      %xor3A_1137 = arith.constant 1 : i32
      %xor3A_1138 = vector.broadcast %xor3A_1137 : i32 to vector<16xi32>
      %xor3A_1139 = arith.xori %iota3A, %xor3A_1138 : vector<16xi32>
      %broadcast_in_dim3A_1140 = vector.shape_cast %xor3A_1139 : vector<16xi32> to vector<16x1xi32>
      %gather3A_1141 = vector.shape_cast %broadcast_in_dim3A_1140 : vector<16x1xi32> to vector<16xi32>
      %gather3A_1142 = tpu.dynamic_gather %add3A_1024[%gather3A_1141] in [0] : vector<16xf32>, vector<16xi32> -> vector<16xf32>
      %select_n3A_1143 = arith.select %eq3A_1129, %gather3A_1142, %add3A_1123 : vector<16xi1>, vector<16xf32>
      %add3A_1144 = arith.addf %select_n3A_1136, %select_n3A_1143 : vector<16xf32>
      %and3A_1145 = arith.constant 2 : i32
      %and3A_1146 = vector.broadcast %and3A_1145 : i32 to vector<16xi32>
      %and3A_1147 = arith.andi %iota3A, %and3A_1146 : vector<16xi32>
      %eq3A_1148 = arith.constant 0 : i32
      %eq3A_1149 = vector.broadcast %eq3A_1148 : i32 to vector<16xi32>
      %eq3A_1150 = arith.cmpi eq, %and3A_1147, %eq3A_1149 : vector<16xi32>
      %xor3A_1151 = arith.constant 2 : i32
      %xor3A_1152 = vector.broadcast %xor3A_1151 : i32 to vector<16xi32>
      %xor3A_1153 = arith.xori %iota3A, %xor3A_1152 : vector<16xi32>
      %broadcast_in_dim3A_1154 = vector.shape_cast %xor3A_1153 : vector<16xi32> to vector<16x1xi32>
      %gather3A_1155 = vector.shape_cast %broadcast_in_dim3A_1154 : vector<16x1xi32> to vector<16xi32>
      %gather3A_1156 = tpu.dynamic_gather %add3A_1144[%gather3A_1155] in [0] : vector<16xf32>, vector<16xi32> -> vector<16xf32>
      %select_n3A_1157 = arith.select %eq3A_1150, %add3A_967, %gather3A_1156 : vector<16xi1>, vector<16xf32>
      %xor3A_1158 = arith.constant 2 : i32
      %xor3A_1159 = vector.broadcast %xor3A_1158 : i32 to vector<16xi32>
      %xor3A_1160 = arith.xori %iota3A, %xor3A_1159 : vector<16xi32>
      %broadcast_in_dim3A_1161 = vector.shape_cast %xor3A_1160 : vector<16xi32> to vector<16x1xi32>
      %gather3A_1162 = vector.shape_cast %broadcast_in_dim3A_1161 : vector<16x1xi32> to vector<16xi32>
      %gather3A_1163 = tpu.dynamic_gather %add3A_967[%gather3A_1162] in [0] : vector<16xf32>, vector<16xi32> -> vector<16xf32>
      %select_n3A_1164 = arith.select %eq3A_1150, %gather3A_1163, %add3A_1144 : vector<16xi1>, vector<16xf32>
      %add3A_1165 = arith.addf %select_n3A_1157, %select_n3A_1164 : vector<16xf32>
      %add3A_1166 = arith.constant 12 : i32
      %add3A_1167 = arith.addi %mul3A_70, %add3A_1166 : i32
      %get3A_1168 = arith.index_cast %add3A_1167 : i32 to index
      %get3A_1169 = arith.constant 0 : index
      %get3A_1170 = tpu.vector_load %arg8[%get3A_1168, %get3A_1169] {strides = array<i32>} : memref<128x128xf32, #tpu.memory_space<vmem>>, vector<16xf32>,
      %get3A_1171 = arith.index_cast %add3A_1167 : i32 to index
      %get3A_1172 = arith.constant 16 : index
      %get3A_1173 = tpu.vector_load %arg8[%get3A_1171, %get3A_1172] {strides = array<i32>} : memref<128x128xf32, #tpu.memory_space<vmem>>, vector<16xf32>,
      %get3A_1174 = arith.index_cast %add3A_1167 : i32 to index
      %get3A_1175 = arith.constant 32 : index
      %get3A_1176 = tpu.vector_load %arg8[%get3A_1174, %get3A_1175] {strides = array<i32>} : memref<128x128xf32, #tpu.memory_space<vmem>>, vector<16xf32>,
      %get3A_1177 = arith.index_cast %add3A_1167 : i32 to index
      %get3A_1178 = arith.constant 48 : index
      %get3A_1179 = tpu.vector_load %arg8[%get3A_1177, %get3A_1178] {strides = array<i32>} : memref<128x128xf32, #tpu.memory_space<vmem>>, vector<16xf32>,
      %get3A_1180 = arith.index_cast %add3A_1167 : i32 to index
      %get3A_1181 = arith.constant 64 : index
      %get3A_1182 = tpu.vector_load %arg8[%get3A_1180, %get3A_1181] {strides = array<i32>} : memref<128x128xf32, #tpu.memory_space<vmem>>, vector<16xf32>,
      %get3A_1183 = arith.index_cast %add3A_1167 : i32 to index
      %get3A_1184 = arith.constant 80 : index
      %get3A_1185 = tpu.vector_load %arg8[%get3A_1183, %get3A_1184] {strides = array<i32>} : memref<128x128xf32, #tpu.memory_space<vmem>>, vector<16xf32>,
      %get3A_1186 = arith.index_cast %add3A_1167 : i32 to index
      %get3A_1187 = arith.constant 96 : index
      %get3A_1188 = tpu.vector_load %arg8[%get3A_1186, %get3A_1187] {strides = array<i32>} : memref<128x128xf32, #tpu.memory_space<vmem>>, vector<16xf32>,
      %get3A_1189 = arith.index_cast %add3A_1167 : i32 to index
      %get3A_1190 = arith.constant 112 : index
      %get3A_1191 = tpu.vector_load %arg8[%get3A_1189, %get3A_1190] {strides = array<i32>} : memref<128x128xf32, #tpu.memory_space<vmem>>, vector<16xf32>,
      %exp3A_1192 = math.exp %get3A_1170 : vector<16xf32>
      %exp3A_1193 = math.exp %get3A_1173 : vector<16xf32>
      %exp3A_1194 = math.exp %get3A_1176 : vector<16xf32>
      %exp3A_1195 = math.exp %get3A_1179 : vector<16xf32>
      %exp3A_1196 = math.exp %get3A_1182 : vector<16xf32>
      %exp3A_1197 = math.exp %get3A_1185 : vector<16xf32>
      %exp3A_1198 = math.exp %get3A_1188 : vector<16xf32>
      %exp3A_1199 = math.exp %get3A_1191 : vector<16xf32>
      %add3A_1200 = arith.addf %exp3A_1192, %exp3A_1193 : vector<16xf32>
      %add3A_1201 = arith.addf %exp3A_1194, %exp3A_1195 : vector<16xf32>
      %add3A_1202 = arith.addf %exp3A_1196, %exp3A_1197 : vector<16xf32>
      %add3A_1203 = arith.addf %exp3A_1198, %exp3A_1199 : vector<16xf32>
      %add3A_1204 = arith.addf %add3A_1200, %add3A_1201 : vector<16xf32>
      %add3A_1205 = arith.addf %add3A_1202, %add3A_1203 : vector<16xf32>
      %add3A_1206 = arith.addf %add3A_1204, %add3A_1205 : vector<16xf32>
      %get3A_1207 = arith.index_cast %add3A_1167 : i32 to index
      %get3A_1208 = arith.constant 0 : index
      %get3A_1209 = tpu.vector_load %arg7[%get3A_1207, %get3A_1208] {strides = array<i32>} : memref<128x20xi32, #tpu.memory_space<vmem>>, vector<16xi32>,
      %get3A_1210 = arith.index_cast %add3A_1167 : i32 to index
      %get3A_1211 = arith.constant 4 : index
      %get3A_1212 = tpu.vector_load %arg7[%get3A_1210, %get3A_1211] {strides = array<i32>} : memref<128x20xi32, #tpu.memory_space<vmem>>, vector<16xi32>,
      %broadcast_in_dim3A_1213 = vector.broadcast %add3A_1167 : i32 to vector<16xi32>
      %gather3A_1214 = tpu.vector_load_idx %arg8[%broadcast_in_dim3A_1213, %get3A_1209] : memref<128x128xf32, #tpu.memory_space<vmem>>[vector<16xi32>, vector<16xi32>], vector<16xf32>,
      %gather3A_1215 = tpu.vector_load_idx %arg8[%broadcast_in_dim3A_1213, %get3A_1212] : memref<128x128xf32, #tpu.memory_space<vmem>>[vector<16xi32>, vector<16xi32>], vector<16xf32>,
      %ge3A_1216 = arith.constant 12 : i32
      %ge3A_1217 = vector.broadcast %ge3A_1216 : i32 to vector<16xi32>
      %ge3A_1218 = arith.cmpi sge, %iota3A, %ge3A_1217 : vector<16xi32>
      %jit3A_1219 = arith.constant 0.000000e+00 : f32
      %broadcast_in_dim3A_1220 = vector.broadcast %jit3A_1219 : f32 to vector<16xf32>
      %select_n3A_1221 = arith.select %ge3A_1218, %gather3A_1215, %broadcast_in_dim3A_1220 : vector<16xi1>, vector<16xf32>
      %add3A_1222 = arith.addf %gather3A_1214, %select_n3A_1221 : vector<16xf32>
      %add3A_1223 = arith.constant 13 : i32
      %add3A_1224 = arith.addi %mul3A_70, %add3A_1223 : i32
      %get3A_1225 = arith.index_cast %add3A_1224 : i32 to index
      %get3A_1226 = arith.constant 0 : index
      %get3A_1227 = tpu.vector_load %arg8[%get3A_1225, %get3A_1226] {strides = array<i32>} : memref<128x128xf32, #tpu.memory_space<vmem>>, vector<16xf32>,
      %get3A_1228 = arith.index_cast %add3A_1224 : i32 to index
      %get3A_1229 = arith.constant 16 : index
      %get3A_1230 = tpu.vector_load %arg8[%get3A_1228, %get3A_1229] {strides = array<i32>} : memref<128x128xf32, #tpu.memory_space<vmem>>, vector<16xf32>,
      %get3A_1231 = arith.index_cast %add3A_1224 : i32 to index
      %get3A_1232 = arith.constant 32 : index
      %get3A_1233 = tpu.vector_load %arg8[%get3A_1231, %get3A_1232] {strides = array<i32>} : memref<128x128xf32, #tpu.memory_space<vmem>>, vector<16xf32>,
      %get3A_1234 = arith.index_cast %add3A_1224 : i32 to index
      %get3A_1235 = arith.constant 48 : index
      %get3A_1236 = tpu.vector_load %arg8[%get3A_1234, %get3A_1235] {strides = array<i32>} : memref<128x128xf32, #tpu.memory_space<vmem>>, vector<16xf32>,
      %get3A_1237 = arith.index_cast %add3A_1224 : i32 to index
      %get3A_1238 = arith.constant 64 : index
      %get3A_1239 = tpu.vector_load %arg8[%get3A_1237, %get3A_1238] {strides = array<i32>} : memref<128x128xf32, #tpu.memory_space<vmem>>, vector<16xf32>,
      %get3A_1240 = arith.index_cast %add3A_1224 : i32 to index
      %get3A_1241 = arith.constant 80 : index
      %get3A_1242 = tpu.vector_load %arg8[%get3A_1240, %get3A_1241] {strides = array<i32>} : memref<128x128xf32, #tpu.memory_space<vmem>>, vector<16xf32>,
      %get3A_1243 = arith.index_cast %add3A_1224 : i32 to index
      %get3A_1244 = arith.constant 96 : index
      %get3A_1245 = tpu.vector_load %arg8[%get3A_1243, %get3A_1244] {strides = array<i32>} : memref<128x128xf32, #tpu.memory_space<vmem>>, vector<16xf32>,
      %get3A_1246 = arith.index_cast %add3A_1224 : i32 to index
      %get3A_1247 = arith.constant 112 : index
      %get3A_1248 = tpu.vector_load %arg8[%get3A_1246, %get3A_1247] {strides = array<i32>} : memref<128x128xf32, #tpu.memory_space<vmem>>, vector<16xf32>,
      %exp3A_1249 = math.exp %get3A_1227 : vector<16xf32>
      %exp3A_1250 = math.exp %get3A_1230 : vector<16xf32>
      %exp3A_1251 = math.exp %get3A_1233 : vector<16xf32>
      %exp3A_1252 = math.exp %get3A_1236 : vector<16xf32>
      %exp3A_1253 = math.exp %get3A_1239 : vector<16xf32>
      %exp3A_1254 = math.exp %get3A_1242 : vector<16xf32>
      %exp3A_1255 = math.exp %get3A_1245 : vector<16xf32>
      %exp3A_1256 = math.exp %get3A_1248 : vector<16xf32>
      %add3A_1257 = arith.addf %exp3A_1249, %exp3A_1250 : vector<16xf32>
      %add3A_1258 = arith.addf %exp3A_1251, %exp3A_1252 : vector<16xf32>
      %add3A_1259 = arith.addf %exp3A_1253, %exp3A_1254 : vector<16xf32>
      %add3A_1260 = arith.addf %exp3A_1255, %exp3A_1256 : vector<16xf32>
      %add3A_1261 = arith.addf %add3A_1257, %add3A_1258 : vector<16xf32>
      %add3A_1262 = arith.addf %add3A_1259, %add3A_1260 : vector<16xf32>
      %add3A_1263 = arith.addf %add3A_1261, %add3A_1262 : vector<16xf32>
      %and3A_1264 = arith.constant 1 : i32
      %and3A_1265 = vector.broadcast %and3A_1264 : i32 to vector<16xi32>
      %and3A_1266 = arith.andi %iota3A, %and3A_1265 : vector<16xi32>
      %eq3A_1267 = arith.constant 0 : i32
      %eq3A_1268 = vector.broadcast %eq3A_1267 : i32 to vector<16xi32>
      %eq3A_1269 = arith.cmpi eq, %and3A_1266, %eq3A_1268 : vector<16xi32>
      %xor3A_1270 = arith.constant 1 : i32
      %xor3A_1271 = vector.broadcast %xor3A_1270 : i32 to vector<16xi32>
      %xor3A_1272 = arith.xori %iota3A, %xor3A_1271 : vector<16xi32>
      %broadcast_in_dim3A_1273 = vector.shape_cast %xor3A_1272 : vector<16xi32> to vector<16x1xi32>
      %gather3A_1274 = vector.shape_cast %broadcast_in_dim3A_1273 : vector<16x1xi32> to vector<16xi32>
      %gather3A_1275 = tpu.dynamic_gather %add3A_1263[%gather3A_1274] in [0] : vector<16xf32>, vector<16xi32> -> vector<16xf32>
      %select_n3A_1276 = arith.select %eq3A_1269, %add3A_1206, %gather3A_1275 : vector<16xi1>, vector<16xf32>
      %xor3A_1277 = arith.constant 1 : i32
      %xor3A_1278 = vector.broadcast %xor3A_1277 : i32 to vector<16xi32>
      %xor3A_1279 = arith.xori %iota3A, %xor3A_1278 : vector<16xi32>
      %broadcast_in_dim3A_1280 = vector.shape_cast %xor3A_1279 : vector<16xi32> to vector<16x1xi32>
      %gather3A_1281 = vector.shape_cast %broadcast_in_dim3A_1280 : vector<16x1xi32> to vector<16xi32>
      %gather3A_1282 = tpu.dynamic_gather %add3A_1206[%gather3A_1281] in [0] : vector<16xf32>, vector<16xi32> -> vector<16xf32>
      %select_n3A_1283 = arith.select %eq3A_1269, %gather3A_1282, %add3A_1263 : vector<16xi1>, vector<16xf32>
      %add3A_1284 = arith.addf %select_n3A_1276, %select_n3A_1283 : vector<16xf32>
      %get3A_1285 = arith.index_cast %add3A_1224 : i32 to index
      %get3A_1286 = arith.constant 0 : index
      %get3A_1287 = tpu.vector_load %arg7[%get3A_1285, %get3A_1286] {strides = array<i32>} : memref<128x20xi32, #tpu.memory_space<vmem>>, vector<16xi32>,
      %get3A_1288 = arith.index_cast %add3A_1224 : i32 to index
      %get3A_1289 = arith.constant 4 : index
      %get3A_1290 = tpu.vector_load %arg7[%get3A_1288, %get3A_1289] {strides = array<i32>} : memref<128x20xi32, #tpu.memory_space<vmem>>, vector<16xi32>,
      %broadcast_in_dim3A_1291 = vector.broadcast %add3A_1224 : i32 to vector<16xi32>
      %gather3A_1292 = tpu.vector_load_idx %arg8[%broadcast_in_dim3A_1291, %get3A_1287] : memref<128x128xf32, #tpu.memory_space<vmem>>[vector<16xi32>, vector<16xi32>], vector<16xf32>,
      %gather3A_1293 = tpu.vector_load_idx %arg8[%broadcast_in_dim3A_1291, %get3A_1290] : memref<128x128xf32, #tpu.memory_space<vmem>>[vector<16xi32>, vector<16xi32>], vector<16xf32>,
      %ge3A_1294 = arith.constant 12 : i32
      %ge3A_1295 = vector.broadcast %ge3A_1294 : i32 to vector<16xi32>
      %ge3A_1296 = arith.cmpi sge, %iota3A, %ge3A_1295 : vector<16xi32>
      %jit3A_1297 = arith.constant 0.000000e+00 : f32
      %broadcast_in_dim3A_1298 = vector.broadcast %jit3A_1297 : f32 to vector<16xf32>
      %select_n3A_1299 = arith.select %ge3A_1296, %gather3A_1293, %broadcast_in_dim3A_1298 : vector<16xi1>, vector<16xf32>
      %add3A_1300 = arith.addf %gather3A_1292, %select_n3A_1299 : vector<16xf32>
      %and3A_1301 = arith.constant 1 : i32
      %and3A_1302 = vector.broadcast %and3A_1301 : i32 to vector<16xi32>
      %and3A_1303 = arith.andi %iota3A, %and3A_1302 : vector<16xi32>
      %eq3A_1304 = arith.constant 0 : i32
      %eq3A_1305 = vector.broadcast %eq3A_1304 : i32 to vector<16xi32>
      %eq3A_1306 = arith.cmpi eq, %and3A_1303, %eq3A_1305 : vector<16xi32>
      %xor3A_1307 = arith.constant 1 : i32
      %xor3A_1308 = vector.broadcast %xor3A_1307 : i32 to vector<16xi32>
      %xor3A_1309 = arith.xori %iota3A, %xor3A_1308 : vector<16xi32>
      %broadcast_in_dim3A_1310 = vector.shape_cast %xor3A_1309 : vector<16xi32> to vector<16x1xi32>
      %gather3A_1311 = vector.shape_cast %broadcast_in_dim3A_1310 : vector<16x1xi32> to vector<16xi32>
      %gather3A_1312 = tpu.dynamic_gather %add3A_1300[%gather3A_1311] in [0] : vector<16xf32>, vector<16xi32> -> vector<16xf32>
      %select_n3A_1313 = arith.select %eq3A_1306, %add3A_1222, %gather3A_1312 : vector<16xi1>, vector<16xf32>
      %xor3A_1314 = arith.constant 1 : i32
      %xor3A_1315 = vector.broadcast %xor3A_1314 : i32 to vector<16xi32>
      %xor3A_1316 = arith.xori %iota3A, %xor3A_1315 : vector<16xi32>
      %broadcast_in_dim3A_1317 = vector.shape_cast %xor3A_1316 : vector<16xi32> to vector<16x1xi32>
      %gather3A_1318 = vector.shape_cast %broadcast_in_dim3A_1317 : vector<16x1xi32> to vector<16xi32>
      %gather3A_1319 = tpu.dynamic_gather %add3A_1222[%gather3A_1318] in [0] : vector<16xf32>, vector<16xi32> -> vector<16xf32>
      %select_n3A_1320 = arith.select %eq3A_1306, %gather3A_1319, %add3A_1300 : vector<16xi1>, vector<16xf32>
      %add3A_1321 = arith.addf %select_n3A_1313, %select_n3A_1320 : vector<16xf32>
      %add3A_1322 = arith.constant 14 : i32
      %add3A_1323 = arith.addi %mul3A_70, %add3A_1322 : i32
      %get3A_1324 = arith.index_cast %add3A_1323 : i32 to index
      %get3A_1325 = arith.constant 0 : index
      %get3A_1326 = tpu.vector_load %arg8[%get3A_1324, %get3A_1325] {strides = array<i32>} : memref<128x128xf32, #tpu.memory_space<vmem>>, vector<16xf32>,
      %get3A_1327 = arith.index_cast %add3A_1323 : i32 to index
      %get3A_1328 = arith.constant 16 : index
      %get3A_1329 = tpu.vector_load %arg8[%get3A_1327, %get3A_1328] {strides = array<i32>} : memref<128x128xf32, #tpu.memory_space<vmem>>, vector<16xf32>,
      %get3A_1330 = arith.index_cast %add3A_1323 : i32 to index
      %get3A_1331 = arith.constant 32 : index
      %get3A_1332 = tpu.vector_load %arg8[%get3A_1330, %get3A_1331] {strides = array<i32>} : memref<128x128xf32, #tpu.memory_space<vmem>>, vector<16xf32>,
      %get3A_1333 = arith.index_cast %add3A_1323 : i32 to index
      %get3A_1334 = arith.constant 48 : index
      %get3A_1335 = tpu.vector_load %arg8[%get3A_1333, %get3A_1334] {strides = array<i32>} : memref<128x128xf32, #tpu.memory_space<vmem>>, vector<16xf32>,
      %get3A_1336 = arith.index_cast %add3A_1323 : i32 to index
      %get3A_1337 = arith.constant 64 : index
      %get3A_1338 = tpu.vector_load %arg8[%get3A_1336, %get3A_1337] {strides = array<i32>} : memref<128x128xf32, #tpu.memory_space<vmem>>, vector<16xf32>,
      %get3A_1339 = arith.index_cast %add3A_1323 : i32 to index
      %get3A_1340 = arith.constant 80 : index
      %get3A_1341 = tpu.vector_load %arg8[%get3A_1339, %get3A_1340] {strides = array<i32>} : memref<128x128xf32, #tpu.memory_space<vmem>>, vector<16xf32>,
      %get3A_1342 = arith.index_cast %add3A_1323 : i32 to index
      %get3A_1343 = arith.constant 96 : index
      %get3A_1344 = tpu.vector_load %arg8[%get3A_1342, %get3A_1343] {strides = array<i32>} : memref<128x128xf32, #tpu.memory_space<vmem>>, vector<16xf32>,
      %get3A_1345 = arith.index_cast %add3A_1323 : i32 to index
      %get3A_1346 = arith.constant 112 : index
      %get3A_1347 = tpu.vector_load %arg8[%get3A_1345, %get3A_1346] {strides = array<i32>} : memref<128x128xf32, #tpu.memory_space<vmem>>, vector<16xf32>,
      %exp3A_1348 = math.exp %get3A_1326 : vector<16xf32>
      %exp3A_1349 = math.exp %get3A_1329 : vector<16xf32>
      %exp3A_1350 = math.exp %get3A_1332 : vector<16xf32>
      %exp3A_1351 = math.exp %get3A_1335 : vector<16xf32>
      %exp3A_1352 = math.exp %get3A_1338 : vector<16xf32>
      %exp3A_1353 = math.exp %get3A_1341 : vector<16xf32>
      %exp3A_1354 = math.exp %get3A_1344 : vector<16xf32>
      %exp3A_1355 = math.exp %get3A_1347 : vector<16xf32>
      %add3A_1356 = arith.addf %exp3A_1348, %exp3A_1349 : vector<16xf32>
      %add3A_1357 = arith.addf %exp3A_1350, %exp3A_1351 : vector<16xf32>
      %add3A_1358 = arith.addf %exp3A_1352, %exp3A_1353 : vector<16xf32>
      %add3A_1359 = arith.addf %exp3A_1354, %exp3A_1355 : vector<16xf32>
      %add3A_1360 = arith.addf %add3A_1356, %add3A_1357 : vector<16xf32>
      %add3A_1361 = arith.addf %add3A_1358, %add3A_1359 : vector<16xf32>
      %add3A_1362 = arith.addf %add3A_1360, %add3A_1361 : vector<16xf32>
      %get3A_1363 = arith.index_cast %add3A_1323 : i32 to index
      %get3A_1364 = arith.constant 0 : index
      %get3A_1365 = tpu.vector_load %arg7[%get3A_1363, %get3A_1364] {strides = array<i32>} : memref<128x20xi32, #tpu.memory_space<vmem>>, vector<16xi32>,
      %get3A_1366 = arith.index_cast %add3A_1323 : i32 to index
      %get3A_1367 = arith.constant 4 : index
      %get3A_1368 = tpu.vector_load %arg7[%get3A_1366, %get3A_1367] {strides = array<i32>} : memref<128x20xi32, #tpu.memory_space<vmem>>, vector<16xi32>,
      %broadcast_in_dim3A_1369 = vector.broadcast %add3A_1323 : i32 to vector<16xi32>
      %gather3A_1370 = tpu.vector_load_idx %arg8[%broadcast_in_dim3A_1369, %get3A_1365] : memref<128x128xf32, #tpu.memory_space<vmem>>[vector<16xi32>, vector<16xi32>], vector<16xf32>,
      %gather3A_1371 = tpu.vector_load_idx %arg8[%broadcast_in_dim3A_1369, %get3A_1368] : memref<128x128xf32, #tpu.memory_space<vmem>>[vector<16xi32>, vector<16xi32>], vector<16xf32>,
      %ge3A_1372 = arith.constant 12 : i32
      %ge3A_1373 = vector.broadcast %ge3A_1372 : i32 to vector<16xi32>
      %ge3A_1374 = arith.cmpi sge, %iota3A, %ge3A_1373 : vector<16xi32>
      %jit3A_1375 = arith.constant 0.000000e+00 : f32
      %broadcast_in_dim3A_1376 = vector.broadcast %jit3A_1375 : f32 to vector<16xf32>
      %select_n3A_1377 = arith.select %ge3A_1374, %gather3A_1371, %broadcast_in_dim3A_1376 : vector<16xi1>, vector<16xf32>
      %add3A_1378 = arith.addf %gather3A_1370, %select_n3A_1377 : vector<16xf32>
      %add3A_1379 = arith.constant 15 : i32
      %add3A_1380 = arith.addi %mul3A_70, %add3A_1379 : i32
      %get3A_1381 = arith.index_cast %add3A_1380 : i32 to index
      %get3A_1382 = arith.constant 0 : index
      %get3A_1383 = tpu.vector_load %arg8[%get3A_1381, %get3A_1382] {strides = array<i32>} : memref<128x128xf32, #tpu.memory_space<vmem>>, vector<16xf32>,
      %get3A_1384 = arith.index_cast %add3A_1380 : i32 to index
      %get3A_1385 = arith.constant 16 : index
      %get3A_1386 = tpu.vector_load %arg8[%get3A_1384, %get3A_1385] {strides = array<i32>} : memref<128x128xf32, #tpu.memory_space<vmem>>, vector<16xf32>,
      %get3A_1387 = arith.index_cast %add3A_1380 : i32 to index
      %get3A_1388 = arith.constant 32 : index
      %get3A_1389 = tpu.vector_load %arg8[%get3A_1387, %get3A_1388] {strides = array<i32>} : memref<128x128xf32, #tpu.memory_space<vmem>>, vector<16xf32>,
      %get3A_1390 = arith.index_cast %add3A_1380 : i32 to index
      %get3A_1391 = arith.constant 48 : index
      %get3A_1392 = tpu.vector_load %arg8[%get3A_1390, %get3A_1391] {strides = array<i32>} : memref<128x128xf32, #tpu.memory_space<vmem>>, vector<16xf32>,
      %get3A_1393 = arith.index_cast %add3A_1380 : i32 to index
      %get3A_1394 = arith.constant 64 : index
      %get3A_1395 = tpu.vector_load %arg8[%get3A_1393, %get3A_1394] {strides = array<i32>} : memref<128x128xf32, #tpu.memory_space<vmem>>, vector<16xf32>,
      %get3A_1396 = arith.index_cast %add3A_1380 : i32 to index
      %get3A_1397 = arith.constant 80 : index
      %get3A_1398 = tpu.vector_load %arg8[%get3A_1396, %get3A_1397] {strides = array<i32>} : memref<128x128xf32, #tpu.memory_space<vmem>>, vector<16xf32>,
      %get3A_1399 = arith.index_cast %add3A_1380 : i32 to index
      %get3A_1400 = arith.constant 96 : index
      %get3A_1401 = tpu.vector_load %arg8[%get3A_1399, %get3A_1400] {strides = array<i32>} : memref<128x128xf32, #tpu.memory_space<vmem>>, vector<16xf32>,
      %get3A_1402 = arith.index_cast %add3A_1380 : i32 to index
      %get3A_1403 = arith.constant 112 : index
      %get3A_1404 = tpu.vector_load %arg8[%get3A_1402, %get3A_1403] {strides = array<i32>} : memref<128x128xf32, #tpu.memory_space<vmem>>, vector<16xf32>,
      %exp3A_1405 = math.exp %get3A_1383 : vector<16xf32>
      %exp3A_1406 = math.exp %get3A_1386 : vector<16xf32>
      %exp3A_1407 = math.exp %get3A_1389 : vector<16xf32>
      %exp3A_1408 = math.exp %get3A_1392 : vector<16xf32>
      %exp3A_1409 = math.exp %get3A_1395 : vector<16xf32>
      %exp3A_1410 = math.exp %get3A_1398 : vector<16xf32>
      %exp3A_1411 = math.exp %get3A_1401 : vector<16xf32>
      %exp3A_1412 = math.exp %get3A_1404 : vector<16xf32>
      %add3A_1413 = arith.addf %exp3A_1405, %exp3A_1406 : vector<16xf32>
      %add3A_1414 = arith.addf %exp3A_1407, %exp3A_1408 : vector<16xf32>
      %add3A_1415 = arith.addf %exp3A_1409, %exp3A_1410 : vector<16xf32>
      %add3A_1416 = arith.addf %exp3A_1411, %exp3A_1412 : vector<16xf32>
      %add3A_1417 = arith.addf %add3A_1413, %add3A_1414 : vector<16xf32>
      %add3A_1418 = arith.addf %add3A_1415, %add3A_1416 : vector<16xf32>
      %add3A_1419 = arith.addf %add3A_1417, %add3A_1418 : vector<16xf32>
      %and3A_1420 = arith.constant 1 : i32
      %and3A_1421 = vector.broadcast %and3A_1420 : i32 to vector<16xi32>
      %and3A_1422 = arith.andi %iota3A, %and3A_1421 : vector<16xi32>
      %eq3A_1423 = arith.constant 0 : i32
      %eq3A_1424 = vector.broadcast %eq3A_1423 : i32 to vector<16xi32>
      %eq3A_1425 = arith.cmpi eq, %and3A_1422, %eq3A_1424 : vector<16xi32>
      %xor3A_1426 = arith.constant 1 : i32
      %xor3A_1427 = vector.broadcast %xor3A_1426 : i32 to vector<16xi32>
      %xor3A_1428 = arith.xori %iota3A, %xor3A_1427 : vector<16xi32>
      %broadcast_in_dim3A_1429 = vector.shape_cast %xor3A_1428 : vector<16xi32> to vector<16x1xi32>
      %gather3A_1430 = vector.shape_cast %broadcast_in_dim3A_1429 : vector<16x1xi32> to vector<16xi32>
      %gather3A_1431 = tpu.dynamic_gather %add3A_1419[%gather3A_1430] in [0] : vector<16xf32>, vector<16xi32> -> vector<16xf32>
      %select_n3A_1432 = arith.select %eq3A_1425, %add3A_1362, %gather3A_1431 : vector<16xi1>, vector<16xf32>
      %xor3A_1433 = arith.constant 1 : i32
      %xor3A_1434 = vector.broadcast %xor3A_1433 : i32 to vector<16xi32>
      %xor3A_1435 = arith.xori %iota3A, %xor3A_1434 : vector<16xi32>
      %broadcast_in_dim3A_1436 = vector.shape_cast %xor3A_1435 : vector<16xi32> to vector<16x1xi32>
      %gather3A_1437 = vector.shape_cast %broadcast_in_dim3A_1436 : vector<16x1xi32> to vector<16xi32>
      %gather3A_1438 = tpu.dynamic_gather %add3A_1362[%gather3A_1437] in [0] : vector<16xf32>, vector<16xi32> -> vector<16xf32>
      %select_n3A_1439 = arith.select %eq3A_1425, %gather3A_1438, %add3A_1419 : vector<16xi1>, vector<16xf32>
      %add3A_1440 = arith.addf %select_n3A_1432, %select_n3A_1439 : vector<16xf32>
      %and3A_1441 = arith.constant 2 : i32
      %and3A_1442 = vector.broadcast %and3A_1441 : i32 to vector<16xi32>
      %and3A_1443 = arith.andi %iota3A, %and3A_1442 : vector<16xi32>
      %eq3A_1444 = arith.constant 0 : i32
      %eq3A_1445 = vector.broadcast %eq3A_1444 : i32 to vector<16xi32>
      %eq3A_1446 = arith.cmpi eq, %and3A_1443, %eq3A_1445 : vector<16xi32>
      %xor3A_1447 = arith.constant 2 : i32
      %xor3A_1448 = vector.broadcast %xor3A_1447 : i32 to vector<16xi32>
      %xor3A_1449 = arith.xori %iota3A, %xor3A_1448 : vector<16xi32>
      %broadcast_in_dim3A_1450 = vector.shape_cast %xor3A_1449 : vector<16xi32> to vector<16x1xi32>
      %gather3A_1451 = vector.shape_cast %broadcast_in_dim3A_1450 : vector<16x1xi32> to vector<16xi32>
      %gather3A_1452 = tpu.dynamic_gather %add3A_1440[%gather3A_1451] in [0] : vector<16xf32>, vector<16xi32> -> vector<16xf32>
      %select_n3A_1453 = arith.select %eq3A_1446, %add3A_1284, %gather3A_1452 : vector<16xi1>, vector<16xf32>
      %xor3A_1454 = arith.constant 2 : i32
      %xor3A_1455 = vector.broadcast %xor3A_1454 : i32 to vector<16xi32>
      %xor3A_1456 = arith.xori %iota3A, %xor3A_1455 : vector<16xi32>
      %broadcast_in_dim3A_1457 = vector.shape_cast %xor3A_1456 : vector<16xi32> to vector<16x1xi32>
      %gather3A_1458 = vector.shape_cast %broadcast_in_dim3A_1457 : vector<16x1xi32> to vector<16xi32>
      %gather3A_1459 = tpu.dynamic_gather %add3A_1284[%gather3A_1458] in [0] : vector<16xf32>, vector<16xi32> -> vector<16xf32>
      %select_n3A_1460 = arith.select %eq3A_1446, %gather3A_1459, %add3A_1440 : vector<16xi1>, vector<16xf32>
      %add3A_1461 = arith.addf %select_n3A_1453, %select_n3A_1460 : vector<16xf32>
      %and3A_1462 = arith.constant 4 : i32
      %and3A_1463 = vector.broadcast %and3A_1462 : i32 to vector<16xi32>
      %and3A_1464 = arith.andi %iota3A, %and3A_1463 : vector<16xi32>
      %eq3A_1465 = arith.constant 0 : i32
      %eq3A_1466 = vector.broadcast %eq3A_1465 : i32 to vector<16xi32>
      %eq3A_1467 = arith.cmpi eq, %and3A_1464, %eq3A_1466 : vector<16xi32>
      %xor3A_1468 = arith.constant 4 : i32
      %xor3A_1469 = vector.broadcast %xor3A_1468 : i32 to vector<16xi32>
      %xor3A_1470 = arith.xori %iota3A, %xor3A_1469 : vector<16xi32>
      %broadcast_in_dim3A_1471 = vector.shape_cast %xor3A_1470 : vector<16xi32> to vector<16x1xi32>
      %gather3A_1472 = vector.shape_cast %broadcast_in_dim3A_1471 : vector<16x1xi32> to vector<16xi32>
      %gather3A_1473 = tpu.dynamic_gather %add3A_1461[%gather3A_1472] in [0] : vector<16xf32>, vector<16xi32> -> vector<16xf32>
      %select_n3A_1474 = arith.select %eq3A_1467, %add3A_1107, %gather3A_1473 : vector<16xi1>, vector<16xf32>
      %xor3A_1475 = arith.constant 4 : i32
      %xor3A_1476 = vector.broadcast %xor3A_1475 : i32 to vector<16xi32>
      %xor3A_1477 = arith.xori %iota3A, %xor3A_1476 : vector<16xi32>
      %broadcast_in_dim3A_1478 = vector.shape_cast %xor3A_1477 : vector<16xi32> to vector<16x1xi32>
      %gather3A_1479 = vector.shape_cast %broadcast_in_dim3A_1478 : vector<16x1xi32> to vector<16xi32>
      %gather3A_1480 = tpu.dynamic_gather %add3A_1107[%gather3A_1479] in [0] : vector<16xf32>, vector<16xi32> -> vector<16xf32>
      %select_n3A_1481 = arith.select %eq3A_1467, %gather3A_1480, %add3A_1461 : vector<16xi1>, vector<16xf32>
      %add3A_1482 = arith.addf %select_n3A_1474, %select_n3A_1481 : vector<16xf32>
      %and3A_1483 = arith.constant 8 : i32
      %and3A_1484 = vector.broadcast %and3A_1483 : i32 to vector<16xi32>
      %and3A_1485 = arith.andi %iota3A, %and3A_1484 : vector<16xi32>
      %eq3A_1486 = arith.constant 0 : i32
      %eq3A_1487 = vector.broadcast %eq3A_1486 : i32 to vector<16xi32>
      %eq3A_1488 = arith.cmpi eq, %and3A_1485, %eq3A_1487 : vector<16xi32>
      %xor3A_1489 = arith.constant 8 : i32
      %xor3A_1490 = vector.broadcast %xor3A_1489 : i32 to vector<16xi32>
      %xor3A_1491 = arith.xori %iota3A, %xor3A_1490 : vector<16xi32>
      %broadcast_in_dim3A_1492 = vector.shape_cast %xor3A_1491 : vector<16xi32> to vector<16x1xi32>
      %gather3A_1493 = vector.shape_cast %broadcast_in_dim3A_1492 : vector<16x1xi32> to vector<16xi32>
      %gather3A_1494 = tpu.dynamic_gather %add3A_1482[%gather3A_1493] in [0] : vector<16xf32>, vector<16xi32> -> vector<16xf32>
      %select_n3A_1495 = arith.select %eq3A_1488, %add3A_732, %gather3A_1494 : vector<16xi1>, vector<16xf32>
      %xor3A_1496 = arith.constant 8 : i32
      %xor3A_1497 = vector.broadcast %xor3A_1496 : i32 to vector<16xi32>
      %xor3A_1498 = arith.xori %iota3A, %xor3A_1497 : vector<16xi32>
      %broadcast_in_dim3A_1499 = vector.shape_cast %xor3A_1498 : vector<16xi32> to vector<16x1xi32>
      %gather3A_1500 = vector.shape_cast %broadcast_in_dim3A_1499 : vector<16x1xi32> to vector<16xi32>
      %gather3A_1501 = tpu.dynamic_gather %add3A_732[%gather3A_1500] in [0] : vector<16xf32>, vector<16xi32> -> vector<16xf32>
      %select_n3A_1502 = arith.select %eq3A_1488, %gather3A_1501, %add3A_1482 : vector<16xi1>, vector<16xf32>
      %add3A_1503 = arith.addf %select_n3A_1495, %select_n3A_1502 : vector<16xf32>
      %get3A_1504 = arith.index_cast %add3A_1380 : i32 to index
      %get3A_1505 = arith.constant 0 : index
      %get3A_1506 = tpu.vector_load %arg7[%get3A_1504, %get3A_1505] {strides = array<i32>} : memref<128x20xi32, #tpu.memory_space<vmem>>, vector<16xi32>,
      %get3A_1507 = arith.index_cast %add3A_1380 : i32 to index
      %get3A_1508 = arith.constant 4 : index
      %get3A_1509 = tpu.vector_load %arg7[%get3A_1507, %get3A_1508] {strides = array<i32>} : memref<128x20xi32, #tpu.memory_space<vmem>>, vector<16xi32>,
      %broadcast_in_dim3A_1510 = vector.broadcast %add3A_1380 : i32 to vector<16xi32>
      %gather3A_1511 = tpu.vector_load_idx %arg8[%broadcast_in_dim3A_1510, %get3A_1506] : memref<128x128xf32, #tpu.memory_space<vmem>>[vector<16xi32>, vector<16xi32>], vector<16xf32>,
      %gather3A_1512 = tpu.vector_load_idx %arg8[%broadcast_in_dim3A_1510, %get3A_1509] : memref<128x128xf32, #tpu.memory_space<vmem>>[vector<16xi32>, vector<16xi32>], vector<16xf32>,
      %ge3A_1513 = arith.constant 12 : i32
      %ge3A_1514 = vector.broadcast %ge3A_1513 : i32 to vector<16xi32>
      %ge3A_1515 = arith.cmpi sge, %iota3A, %ge3A_1514 : vector<16xi32>
      %jit3A_1516 = arith.constant 0.000000e+00 : f32
      %broadcast_in_dim3A_1517 = vector.broadcast %jit3A_1516 : f32 to vector<16xf32>
      %select_n3A_1518 = arith.select %ge3A_1515, %gather3A_1512, %broadcast_in_dim3A_1517 : vector<16xi1>, vector<16xf32>
      %add3A_1519 = arith.addf %gather3A_1511, %select_n3A_1518 : vector<16xf32>
      %and3A_1520 = arith.constant 1 : i32
      %and3A_1521 = vector.broadcast %and3A_1520 : i32 to vector<16xi32>
      %and3A_1522 = arith.andi %iota3A, %and3A_1521 : vector<16xi32>
      %eq3A_1523 = arith.constant 0 : i32
      %eq3A_1524 = vector.broadcast %eq3A_1523 : i32 to vector<16xi32>
      %eq3A_1525 = arith.cmpi eq, %and3A_1522, %eq3A_1524 : vector<16xi32>
      %xor3A_1526 = arith.constant 1 : i32
      %xor3A_1527 = vector.broadcast %xor3A_1526 : i32 to vector<16xi32>
      %xor3A_1528 = arith.xori %iota3A, %xor3A_1527 : vector<16xi32>
      %broadcast_in_dim3A_1529 = vector.shape_cast %xor3A_1528 : vector<16xi32> to vector<16x1xi32>
      %gather3A_1530 = vector.shape_cast %broadcast_in_dim3A_1529 : vector<16x1xi32> to vector<16xi32>
      %gather3A_1531 = tpu.dynamic_gather %add3A_1519[%gather3A_1530] in [0] : vector<16xf32>, vector<16xi32> -> vector<16xf32>
      %select_n3A_1532 = arith.select %eq3A_1525, %add3A_1378, %gather3A_1531 : vector<16xi1>, vector<16xf32>
      %xor3A_1533 = arith.constant 1 : i32
      %xor3A_1534 = vector.broadcast %xor3A_1533 : i32 to vector<16xi32>
      %xor3A_1535 = arith.xori %iota3A, %xor3A_1534 : vector<16xi32>
      %broadcast_in_dim3A_1536 = vector.shape_cast %xor3A_1535 : vector<16xi32> to vector<16x1xi32>
      %gather3A_1537 = vector.shape_cast %broadcast_in_dim3A_1536 : vector<16x1xi32> to vector<16xi32>
      %gather3A_1538 = tpu.dynamic_gather %add3A_1378[%gather3A_1537] in [0] : vector<16xf32>, vector<16xi32> -> vector<16xf32>
      %select_n3A_1539 = arith.select %eq3A_1525, %gather3A_1538, %add3A_1519 : vector<16xi1>, vector<16xf32>
      %add3A_1540 = arith.addf %select_n3A_1532, %select_n3A_1539 : vector<16xf32>
      %and3A_1541 = arith.constant 2 : i32
      %and3A_1542 = vector.broadcast %and3A_1541 : i32 to vector<16xi32>
      %and3A_1543 = arith.andi %iota3A, %and3A_1542 : vector<16xi32>
      %eq3A_1544 = arith.constant 0 : i32
      %eq3A_1545 = vector.broadcast %eq3A_1544 : i32 to vector<16xi32>
      %eq3A_1546 = arith.cmpi eq, %and3A_1543, %eq3A_1545 : vector<16xi32>
      %xor3A_1547 = arith.constant 2 : i32
      %xor3A_1548 = vector.broadcast %xor3A_1547 : i32 to vector<16xi32>
      %xor3A_1549 = arith.xori %iota3A, %xor3A_1548 : vector<16xi32>
      %broadcast_in_dim3A_1550 = vector.shape_cast %xor3A_1549 : vector<16xi32> to vector<16x1xi32>
      %gather3A_1551 = vector.shape_cast %broadcast_in_dim3A_1550 : vector<16x1xi32> to vector<16xi32>
      %gather3A_1552 = tpu.dynamic_gather %add3A_1540[%gather3A_1551] in [0] : vector<16xf32>, vector<16xi32> -> vector<16xf32>
      %select_n3A_1553 = arith.select %eq3A_1546, %add3A_1321, %gather3A_1552 : vector<16xi1>, vector<16xf32>
      %xor3A_1554 = arith.constant 2 : i32
      %xor3A_1555 = vector.broadcast %xor3A_1554 : i32 to vector<16xi32>
      %xor3A_1556 = arith.xori %iota3A, %xor3A_1555 : vector<16xi32>
      %broadcast_in_dim3A_1557 = vector.shape_cast %xor3A_1556 : vector<16xi32> to vector<16x1xi32>
      %gather3A_1558 = vector.shape_cast %broadcast_in_dim3A_1557 : vector<16x1xi32> to vector<16xi32>
      %gather3A_1559 = tpu.dynamic_gather %add3A_1321[%gather3A_1558] in [0] : vector<16xf32>, vector<16xi32> -> vector<16xf32>
      %select_n3A_1560 = arith.select %eq3A_1546, %gather3A_1559, %add3A_1540 : vector<16xi1>, vector<16xf32>
      %add3A_1561 = arith.addf %select_n3A_1553, %select_n3A_1560 : vector<16xf32>
      %and3A_1562 = arith.constant 4 : i32
      %and3A_1563 = vector.broadcast %and3A_1562 : i32 to vector<16xi32>
      %and3A_1564 = arith.andi %iota3A, %and3A_1563 : vector<16xi32>
      %eq3A_1565 = arith.constant 0 : i32
      %eq3A_1566 = vector.broadcast %eq3A_1565 : i32 to vector<16xi32>
      %eq3A_1567 = arith.cmpi eq, %and3A_1564, %eq3A_1566 : vector<16xi32>
      %xor3A_1568 = arith.constant 4 : i32
      %xor3A_1569 = vector.broadcast %xor3A_1568 : i32 to vector<16xi32>
      %xor3A_1570 = arith.xori %iota3A, %xor3A_1569 : vector<16xi32>
      %broadcast_in_dim3A_1571 = vector.shape_cast %xor3A_1570 : vector<16xi32> to vector<16x1xi32>
      %gather3A_1572 = vector.shape_cast %broadcast_in_dim3A_1571 : vector<16x1xi32> to vector<16xi32>
      %gather3A_1573 = tpu.dynamic_gather %add3A_1561[%gather3A_1572] in [0] : vector<16xf32>, vector<16xi32> -> vector<16xf32>
      %select_n3A_1574 = arith.select %eq3A_1567, %add3A_1165, %gather3A_1573 : vector<16xi1>, vector<16xf32>
      %xor3A_1575 = arith.constant 4 : i32
      %xor3A_1576 = vector.broadcast %xor3A_1575 : i32 to vector<16xi32>
      %xor3A_1577 = arith.xori %iota3A, %xor3A_1576 : vector<16xi32>
      %broadcast_in_dim3A_1578 = vector.shape_cast %xor3A_1577 : vector<16xi32> to vector<16x1xi32>
      %gather3A_1579 = vector.shape_cast %broadcast_in_dim3A_1578 : vector<16x1xi32> to vector<16xi32>
      %gather3A_1580 = tpu.dynamic_gather %add3A_1165[%gather3A_1579] in [0] : vector<16xf32>, vector<16xi32> -> vector<16xf32>
      %select_n3A_1581 = arith.select %eq3A_1567, %gather3A_1580, %add3A_1561 : vector<16xi1>, vector<16xf32>
      %add3A_1582 = arith.addf %select_n3A_1574, %select_n3A_1581 : vector<16xf32>
      %and3A_1583 = arith.constant 8 : i32
      %and3A_1584 = vector.broadcast %and3A_1583 : i32 to vector<16xi32>
      %and3A_1585 = arith.andi %iota3A, %and3A_1584 : vector<16xi32>
      %eq3A_1586 = arith.constant 0 : i32
      %eq3A_1587 = vector.broadcast %eq3A_1586 : i32 to vector<16xi32>
      %eq3A_1588 = arith.cmpi eq, %and3A_1585, %eq3A_1587 : vector<16xi32>
      %xor3A_1589 = arith.constant 8 : i32
      %xor3A_1590 = vector.broadcast %xor3A_1589 : i32 to vector<16xi32>
      %xor3A_1591 = arith.xori %iota3A, %xor3A_1590 : vector<16xi32>
      %broadcast_in_dim3A_1592 = vector.shape_cast %xor3A_1591 : vector<16xi32> to vector<16x1xi32>
      %gather3A_1593 = vector.shape_cast %broadcast_in_dim3A_1592 : vector<16x1xi32> to vector<16xi32>
      %gather3A_1594 = tpu.dynamic_gather %add3A_1582[%gather3A_1593] in [0] : vector<16xf32>, vector<16xi32> -> vector<16xf32>
      %select_n3A_1595 = arith.select %eq3A_1588, %add3A_811, %gather3A_1594 : vector<16xi1>, vector<16xf32>
      %xor3A_1596 = arith.constant 8 : i32
      %xor3A_1597 = vector.broadcast %xor3A_1596 : i32 to vector<16xi32>
      %xor3A_1598 = arith.xori %iota3A, %xor3A_1597 : vector<16xi32>
      %broadcast_in_dim3A_1599 = vector.shape_cast %xor3A_1598 : vector<16xi32> to vector<16x1xi32>
      %gather3A_1600 = vector.shape_cast %broadcast_in_dim3A_1599 : vector<16x1xi32> to vector<16xi32>
      %gather3A_1601 = tpu.dynamic_gather %add3A_811[%gather3A_1600] in [0] : vector<16xf32>, vector<16xi32> -> vector<16xf32>
      %select_n3A_1602 = arith.select %eq3A_1588, %gather3A_1601, %add3A_1582 : vector<16xi1>, vector<16xf32>
      %add3A_1603 = arith.addf %select_n3A_1595, %select_n3A_1602 : vector<16xf32>
      %bitcast_convert_type3A = tpu.bitcast %add3A_1503 : vector<16xf32> -> vector<16xi32>
      %shift_right_arithmetic3A = arith.constant 23 : i32
      %shift_right_arithmetic3A_1604 = vector.broadcast %shift_right_arithmetic3A : i32 to vector<16xi32>
      %shift_right_arithmetic3A_1605 = arith.shrsi %bitcast_convert_type3A, %shift_right_arithmetic3A_1604 : vector<16xi32>
      %sub3A = arith.constant 127 : i32
      %sub3A_1606 = vector.broadcast %sub3A : i32 to vector<16xi32>
      %sub3A_1607 = arith.subi %shift_right_arithmetic3A_1605, %sub3A_1606 : vector<16xi32>
      %and3A_1608 = arith.constant 8388607 : i32
      %and3A_1609 = vector.broadcast %and3A_1608 : i32 to vector<16xi32>
      %and3A_1610 = arith.andi %bitcast_convert_type3A, %and3A_1609 : vector<16xi32>
      %or3A = arith.constant 1065353216 : i32
      %or3A_1611 = vector.broadcast %or3A : i32 to vector<16xi32>
      %or3A_1612 = arith.ori %and3A_1610, %or3A_1611 : vector<16xi32>
      %bitcast_convert_type3A_1613 = tpu.bitcast %or3A_1612 : vector<16xi32> -> vector<16xf32>
      %gt3A = arith.constant 1.41421354 : f32
      %gt3A_1614 = vector.broadcast %gt3A : f32 to vector<16xf32>
      %gt3A_1615 = arith.cmpf ogt, %bitcast_convert_type3A_1613, %gt3A_1614 : vector<16xf32>
      %mul3A_1616 = arith.constant 5.000000e-01 : f32
      %mul3A_1617 = vector.broadcast %mul3A_1616 : f32 to vector<16xf32>
      %mul3A_1618 = arith.mulf %bitcast_convert_type3A_1613, %mul3A_1617 : vector<16xf32>
      %select_n3A_1619 = arith.select %gt3A_1615, %mul3A_1618, %bitcast_convert_type3A_1613 : vector<16xi1>, vector<16xf32>
      %convert_element_type3A_1620 = arith.sitofp %sub3A_1607 : vector<16xi32> to vector<16xf32>
      %add3A_1621 = arith.constant 1.000000e+00 : f32
      %add3A_1622 = vector.broadcast %add3A_1621 : f32 to vector<16xf32>
      %add3A_1623 = arith.addf %convert_element_type3A_1620, %add3A_1622 : vector<16xf32>
      %select_n3A_1624 = arith.select %gt3A_1615, %add3A_1623, %convert_element_type3A_1620 : vector<16xi1>, vector<16xf32>
      %sub3A_1625 = arith.constant 1.000000e+00 : f32
      %sub3A_1626 = vector.broadcast %sub3A_1625 : f32 to vector<16xf32>
      %sub3A_1627 = arith.subf %select_n3A_1619, %sub3A_1626 : vector<16xf32>
      %add3A_1628 = arith.constant 1.000000e+00 : f32
      %add3A_1629 = vector.broadcast %add3A_1628 : f32 to vector<16xf32>
      %add3A_1630 = arith.addf %select_n3A_1619, %add3A_1629 : vector<16xf32>
      %div3A = arith.divf %sub3A_1627, %add3A_1630 : vector<16xf32>
      %mul3A_1631 = arith.mulf %div3A, %div3A : vector<16xf32>
      %mul3A_1632 = arith.constant 0.111111112 : f32
      %mul3A_1633 = vector.broadcast %mul3A_1632 : f32 to vector<16xf32>
      %mul3A_1634 = arith.mulf %mul3A_1631, %mul3A_1633 : vector<16xf32>
      %add3A_1635 = arith.constant 0.142857149 : f32
      %add3A_1636 = vector.broadcast %add3A_1635 : f32 to vector<16xf32>
      %add3A_1637 = arith.addf %add3A_1636, %mul3A_1634 : vector<16xf32>
      %mul3A_1638 = arith.mulf %mul3A_1631, %add3A_1637 : vector<16xf32>
      %add3A_1639 = arith.constant 2.000000e-01 : f32
      %add3A_1640 = vector.broadcast %add3A_1639 : f32 to vector<16xf32>
      %add3A_1641 = arith.addf %add3A_1640, %mul3A_1638 : vector<16xf32>
      %mul3A_1642 = arith.mulf %mul3A_1631, %add3A_1641 : vector<16xf32>
      %add3A_1643 = arith.constant 0.333333343 : f32
      %add3A_1644 = vector.broadcast %add3A_1643 : f32 to vector<16xf32>
      %add3A_1645 = arith.addf %add3A_1644, %mul3A_1642 : vector<16xf32>
      %mul3A_1646 = arith.mulf %mul3A_1631, %add3A_1645 : vector<16xf32>
      %add3A_1647 = arith.constant 1.000000e+00 : f32
      %add3A_1648 = vector.broadcast %add3A_1647 : f32 to vector<16xf32>
      %add3A_1649 = arith.addf %add3A_1648, %mul3A_1646 : vector<16xf32>
      %mul3A_1650 = arith.constant 0.693147182 : f32
      %mul3A_1651 = vector.broadcast %mul3A_1650 : f32 to vector<16xf32>
      %mul3A_1652 = arith.mulf %select_n3A_1624, %mul3A_1651 : vector<16xf32>
      %mul3A_1653 = arith.constant 2.000000e+00 : f32
      %mul3A_1654 = vector.broadcast %mul3A_1653 : f32 to vector<16xf32>
      %mul3A_1655 = arith.mulf %mul3A_1654, %div3A : vector<16xf32>
      %mul3A_1656 = arith.mulf %mul3A_1655, %add3A_1649 : vector<16xf32>
      %add3A_1657 = arith.addf %mul3A_1652, %mul3A_1656 : vector<16xf32>
      %mul3A_1658 = arith.constant 2.000000e+01 : f32
      %mul3A_1659 = vector.broadcast %mul3A_1658 : f32 to vector<16xf32>
      %mul3A_1660 = arith.mulf %mul3A_1659, %add3A_1657 : vector<16xf32>
      %sub3A_1661 = arith.subf %add3A_1603, %mul3A_1660 : vector<16xf32>
      %swap3A = arith.index_cast %mul3A_70 : i32 to index
      %swap3A_1662 = tpu.vector_load %arg9[%swap3A] {strides = array<i32>} : memref<128xf32, #tpu.memory_space<vmem>>, vector<16xf32>,
      tpu.vector_store %arg9[%swap3A], %sub3A_1661 {strides = array<i32>} : memref<128xf32, #tpu.memory_space<vmem>>, vector<16xf32>,
      %scan3A_1663 = arith.constant 0 : i32
      scf.yield %scan3A_1663 : i32
    }
    %scan3A_54 = arith.constant 8 : i32
    "tpu.region"() ({
      %run_scoped3A = tpu.sem_alloc : memref<!tpu.dma_semaphore, #tpu.memory_space<semaphore_mem>>
      %dma_start3A_55 = tpu.memref_slice %arg5[%mul3A_2] : memref<4096xf32, #tpu.memory_space<hbm>> -> memref<128xf32, #tpu.memory_space<hbm>>
      %dma_start3A_56 = tpu.memref_slice %arg5[%mul3A_2] : memref<4096xf32, #tpu.memory_space<hbm>> -> memref<128xf32, #tpu.memory_space<hbm>>
      tpu.enqueue_dma source(%arg9 : memref<128xf32, #tpu.memory_space<vmem>>) target(%dma_start3A_56 : memref<128xf32, #tpu.memory_space<hbm>>) target_semaphore(%run_scoped3A : memref<!tpu.dma_semaphore, #tpu.memory_space<semaphore_mem>>)
      %dma_wait3A_57 = tpu.memref_slice %arg5[%mul3A_2] : memref<4096xf32, #tpu.memory_space<hbm>> -> memref<128xf32, #tpu.memory_space<hbm>>
      %dma_wait3A_58 = tpu.memref_slice %arg5[%mul3A_2] : memref<4096xf32, #tpu.memory_space<hbm>> -> memref<128xf32, #tpu.memory_space<hbm>>
      tpu.wait_dma2 semaphore(%run_scoped3A : memref<!tpu.dma_semaphore, #tpu.memory_space<semaphore_mem>>) src(%arg9 : memref<128xf32, #tpu.memory_space<vmem>>) dst(%dma_wait3A_58 : memref<128xf32, #tpu.memory_space<hbm>>)
      tpu.yield
    }) : () -> ()
    return
  }
}

</mosaic_0001>

<sc_bundles>
// kernel: kernel.3.cloned.1.call-start
scs
__scs_entry_jumppad:
0x0: {  	(pc) =	sbr.rel $0x88, $3  }
0x1: {  	(tag) =	ssettag $0x0;
	lr =	simm.s32 $0x1  }
0x2: {  	[smem:$0x3F9E] =	sst lr;
	_ =	strace $0xD0000000  }
0x3: {  	_ = 	snop  }
0x4: {  	_ = 	snop  }
0x5: {  	_ = 	snop  }
0x6: {  	_ = 	snop  }
0x7: {  	_ = 	snop  }
__scs_overlays_trampoline_lowered:
0x8: {  	[smem:$0x3FAD] =	sst s0  }
0x9: {  	[smem:$0x3FAE] =	sst s1  }
0xa: {  	[smem:$0x3FAF] =	sst s2  }
0xb: {  	[smem:$0x3FB0] =	sst s3  }
0xc: {  	[smem:$0x3FB1] =	sst s4  }
0xd: {  	[smem:$0x3FB2] =	sst s5  }
0xe: {  	[smem:$0x3FB3] =	sst s6  }
0xf: {  	[smem:$0x3FB4] =	sst s7  }
0x10: {  	[smem:$0x3FB5] =	sst s8  }
0x11: {  	[smem:$0x3FB6] =	sst s9;
	s0 =	simm.s32 @!p0 $0x0  }
0x12: {  	s1 =	sld [smem:$0x3F9C];
	s0 =	simm.s32 @p0 $0x1  }
0x13: {  	[smem:$0x3FB7] =	sst s0;
	s0 =	simm.s32 @!p1 $0x0  }
0x14: {  	s2 =	sld [smem:$0x3F9B];
	s0 =	simm.s32 @p1 $0x1  }
0x15: {  	[smem:$0x3FB8] =	sst s0;
	s0 =	simm.s32 @!p2 $0x0  }
0x16: {  	s3 =	sld [smem:$0x3FDB];
	s0 =	simm.s32 @p2 $0x1  }
0x17: {  	s4 =	simm.s32 $0x1BF5;
	[smem:$0x3FBA] =	sst s0  }
0x18: {  	s0 =	sld [smem:$0x3F9D];
	_ =	swait.ge [sflag:s4], $0x0  }
0x19: {  	s7 =	sld [smem:$0x3F9E]  }
0x1a: {  	s8 =	sadd.s32 $0xFFFFE003, lr  }
0x1b: {  	s9 =	sadd.s32 $0xFFFFFEF7, lr;
	s5 =	simm.s32 $0xFFFFFFFF;
	p2 =	slt.u32 s8, $0xFFFFF086  }
0x1c: {  	p1 =	slt.u32 s9, $0xF7A;
	s5 =	simm.s32 @!p2 $0x0  }
0x1d: {  	s5 =	simm.s32 @p1 $0x1;
	p0 =	seq.s32 s7, s2  }
0x1e: {  	s7 =	smul.u32 @!p0 $0xF7A, s2;
	p2 =	seq.s32 @!p0 s5, $0x0  }
0x1f: {  	s9 =	smul.u32 $0xF7A, s1;
	s8 =	simm.s32 @!p0 $0x1BF5;
	p2 =	por !p2, p0  }
0x20: {  	[sflag:s8] =	ssyncset.s32 @!p0 $0xFFFFF086;
	s6 =	sadd.s32 @!p0 s3, s7;
	s7 =	simm.s32 @!p0 $0x108  }
0x21: {  	s3 =	sadd.s32 s3, s9;
	s6 =	sadd.s32 @!p0 $0x88, s6;
	s7 =	simm.s32 @p2 $0x1082  }
0x22: {  	[simem:s7], [sflag:s8] =	dma.local @!p0 [hbm:s6], $0xF7A  }
0x23: {  	s9 =	sor.u32 $0xD0000000, s2;
	s6 =	simm.s32 $0x108;
	_ =	swait.ge @!p0 [sflag:s8], $0x0  }
0x24: {  	s3 =	sadd.s32 $0x88, s3;
	s6 =	simm.s32 @!p1 $0x1082;
	[sflag:s4] =	ssyncset.s32 $0xFFFFF086  }
0x25: {  	[simem:s6], [sflag:s4] =	dma.local [hbm:s3], $0xF7A  }
0x26: {  	[smem:$0x3F9E] =	sst s1;
	(tag) =	ssettag s2;
	_ =	strace s9  }
0x27: {  	s1 =	sld [smem:$0x3FAE]  }
0x28: {  	s2 =	sld [smem:$0x3FAF]  }
0x29: {  	s4 =	sld [smem:$0x3FB1]  }
0x2a: {  	p0 =	seq.s32 s5, $0x0;
	s5 =	sld [smem:$0x3FB2]  }
0x2b: {  	s6 =	sld [smem:$0x3FB3]  }
0x2c: {  	s7 =	sld [smem:$0x3FB4]  }
0x2d: {  	s3 =	simm.s32 $0x108;
	s8 =	sld [smem:$0x3FB5]  }
0x2e: {  	s3 =	simm.s32 @!p0 $0x1082;
	s9 =	sld [smem:$0x3FB6]  }
0x2f: {  	lr =	sadd.s32 s0, s3;
	s0 =	sld [smem:$0x3FAD]  }
0x30: {  	s3 =	sld [smem:$0x3FB0]  }
0x31: {  	[smem:$0x3FB9] =	sst s10  }
0x32: {  	s10 =	sld [smem:$0x3FB7];
	_ =	sdelay $0x3  }
0x33: {  	p0 =	seq.s32 s10, $0x1;
	s10 =	sld [smem:$0x3FB9];
	_ =	sdelay $0x3  }
0x34: {  	[smem:$0x3FB9] =	sst s10  }
0x35: {  	s10 =	sld [smem:$0x3FB8];
	_ =	sdelay $0x3  }
0x36: {  	p1 =	seq.s32 s10, $0x1;
	s10 =	sld [smem:$0x3FB9];
	_ =	sdelay $0x3  }
0x37: {  	[smem:$0x3FB9] =	sst s10  }
0x38: {  	s10 =	sld [smem:$0x3FBA]  }
0x39: {  	_ = 	snop;
	(pc) =	sbr.ind lr, $3  }
0x3a: {  	_ = 	snop  }
0x3b: {  	_ = 	snop  }
0x3c: {  	p2 =	seq.s32 s10, $0x1;
	s10 =	sld [smem:$0x3FB9]  }
0x3d: {  	_ =	shalt  }
0x3e: {  	_ =	shalt  }
0x3f: {  	_ =	shalt  }
0x40: {  	_ =	shalt  }
0x41: {  	_ =	shalt  }
0x42: {  	_ =	shalt  }
0x43: {  	_ =	shalt  }
0x44: {  	_ =	shalt  }
0x45: {  	_ =	shalt  }
0x46: {  	_ =	shalt  }
0x47: {  	_ =	shalt  }
0x48: {  	_ =	shalt  }
0x49: {  	_ =	shalt  }
0x4a: {  	_ =	shalt  }
0x4b: {  	_ =	shalt  }
0x4c: {  	_ =	shalt  }
0x4d: {  	_ =	shalt  }
0x4e: {  	_ =	shalt  }
0x4f: {  	_ =	shalt  }
0x50: {  	_ =	shalt  }
0x51: {  	_ =	shalt  }
0x52: {  	_ =	shalt  }
0x53: {  	_ =	shalt  }
0x54: {  	_ =	shalt  }
0x55: {  	_ =	shalt  }
0x56: {  	_ =	shalt  }
0x57: {  	_ =	shalt  }
0x58: {  	_ =	shalt  }
0x59: {  	_ =	shalt  }
0x5a: {  	_ =	shalt  }
0x5b: {  	_ =	shalt  }
0x5c: {  	_ =	shalt  }
0x5d: {  	_ =	shalt  }
0x5e: {  	_ =	shalt  }
0x5f: {  	_ =	shalt  }
0x60: {  	_ =	shalt  }
0x61: {  	_ =	shalt  }
0x62: {  	_ =	shalt  }
0x63: {  	_ =	shalt  }
0x64: {  	_ =	shalt  }
0x65: {  	_ =	shalt  }
0x66: {  	_ =	shalt  }
0x67: {  	_ =	shalt  }
0x68: {  	_ =	shalt  }
0x69: {  	_ =	shalt  }
0x6a: {  	_ =	shalt  }
0x6b: {  	_ =	shalt  }
0x6c: {  	_ =	shalt  }
0x6d: {  	_ =	shalt  }
0x6e: {  	_ =	shalt  }
0x6f: {  	_ =	shalt  }
0x70: {  	_ =	shalt  }
0x71: {  	_ =	shalt  }
0x72: {  	_ =	shalt  }
0x73: {  	_ =	shalt  }
0x74: {  	_ =	shalt  }
0x75: {  	_ =	shalt  }
0x76: {  	_ =	shalt  }
0x77: {  	_ =	shalt  }
0x78: {  	_ =	shalt  }
0x79: {  	_ =	shalt  }
0x7a: {  	_ =	shalt  }
0x7b: {  	_ =	shalt  }
0x7c: {  	_ =	shalt  }
0x7d: {  	_ =	shalt  }
0x7e: {  	_ =	shalt  }
0x7f: {  	_ =	shalt  }
0x80: {  	_ =	shalt  }
0x81: {  	_ =	shalt  }
0x82: {  	_ =	shalt  }
0x83: {  	_ =	shalt  }
0x84: {  	_ =	shalt  }
0x85: {  	_ =	shalt  }
0x86: {  	_ =	shalt  }
0x87: {  	_ =	shalt  }
.Lfunc_end0:
.L_simem_size_0:
called_computation_lowered:
.L_overlay_start_0:
0x88: {  	s2 =	sld [smem:$0x3FD9]  }
0x89: {  	s3 =	sld [smem:$0x3FFE];
	_ =	sdelay $0x1  }
0x8a: {  	s1 =	srdreg.scid  }
0x8b: {  	s0 =	sand.u32 $0x1, s1  }
0x8c: {  	s17 =	sshll.u32 s0, $0xA;
	s2 =	sadd.s32 s3, s2  }
0x8d: {  	s2 =	sadd.s32 s2, s17  }
0x8e: {  	[smem:$0x3FC5] =	sst s2  }
0x8f: {  	_ = 	snop  }
0x90: {  	s2 =	sld [smem:$0x3FC9]  }
0x91: {  	s18 =	sld [smem:$0x3FC7]  }
0x92: {  	s4 =	sld [smem:$0x3FD0];
	(tm) =	ssettm $0x1  }
0x93: {  	s5 =	sld [smem:$0x3FFB];
	_ =	sdelay $0x3  }
0x94: {  	_ =	strace s5  }
0x95: {  	s5 =	sld [smem:$0x3FFC];
	_ =	sdelay $0x3  }
0x96: {  	_ =	strace s5  }
0x97: {  	s5 =	sld [smem:$0x3FFD];
	_ =	sdelay $0x3  }
0x98: {  	_ =	strace s5  }
0x99: {  	_ =	strace $0x8FFFFFFF  }
0x9a: {  	s19 =	sld [smem:$0x3FDB];
	_ =	sdelay $0x1  }
0x9b: {  	s6 =	simm.s32 $_scs_section_size  }
0x9c: {  	s7 =	simm.s32 $_size__tile_overlayer_lowered;
	s8 =	simm.s32 $_tile_overlayer_lowered  }
0x9d: {  	s22 =	simm.s32 $0x1BFF;
	s21 =	sshll.u32 s8, $0x1;
	s5 =	sadd.s32 s6, s19  }
0x9e: {  	s9 =	simm.s32 $0x0;
	s20 =	sshll.u32 s7, $0x1;
	s7 =	sadd.s32 s21, s5  }
0x9f: {  	[timem:s9], [sflag:s22] =	dma.local [hbm:s7], s20  }
0xa0: {  	_ =	swait.ge [sflag:s22], s20  }
0xa1: {  	s6 =	ssub.s32 $0x0, s20;
	[sflag:s22] =	ssyncset.done $0x0  }
0xa2: {  	[sflag:s22] =	ssyncadd.s32 s6;
	_ =	sdelay $0x1  }
0xa3: {  	s23 =	simm.s32 $0x1B8B  }
0xa4: {  	_ =	swait.ge [sflag:s23], $0x1  }
0xa5: {  	[sflag:s23] =	ssyncset.done $0x0  }
0xa6: {  	s25 =	simm.s32 $0x1B8E;
	s24 =	sld [smem:$0x3FFE];
	[sflag:s23] =	ssyncadd.s32 $0xFFFFFFFF  }
0xa7: {  	s26 =	simm.s32 $execute0_lowered;
	[smem:$0x3FD2] =	sst s25  }
0xa8: {  	s7 =	sshll.u32 s26, $0x1;
	_ =	strace $0x80000046;
	[dreg:$0x1] =	wrdreg $0xFFFFFFFF  }
0xa9: {  	s28 =	simm.s32 $_size_execute0_lowered;
	s5 =	sadd.s32 s5, s7;
	[dreg:$0x0] =	wrdreg $0x0  }
0xaa: {  	s7 =	sshll.u32 s28, $0x1;
	[dreg:$0x2] =	wrdreg s5  }
0xab: {  	[dreg:$0x3] =	wrdreg s7  }
0xac: {  	[dreg:$0x4] =	wrdreg $0xC0  }
0xad: {  	_ =	task [dreg:s9], $0x5FFFF  }
0xae: {  	[dreg:$0x1] =	wrdreg $0xFFFFFFFF  }
0xaf: {  	[dreg:$0x0] =	wrdreg $0x60  }
0xb0: {  	[dreg:$0x2] =	wrdreg s2  }
0xb1: {  	[dreg:$0x3] =	wrdreg s24  }
0xb2: {  	[dreg:$0x4] =	wrdreg s18  }
0xb3: {  	[dreg:$0x5] =	wrdreg s4  }
0xb4: {  	[dreg:$0x6] =	wrdreg $0x9  }
0xb5: {  	_ =	task.clear_ibuf [dreg:s9], $0x7FFFF;
	_ =	strace $0x90000046  }
0xb6: {  	s29 =	simm.s32 $0x9;
	_ =	strace $0x80000048  }
0xb7: {  	_ =	swait.ge [sflag:s29], $0x1  }
0xb8: {  	[sflag:s29] =	ssyncadd.s32 $0xFFFFFFFF  }
0xb9: {  	_ =	strace $0x90000048  }
0xba: {  	_ =	sfence  }
0xbb: {  	s30 =	sld [smem:$0x0];
	_ =	sdelay $0x2  }
0xbc: {  	s31 =	sshll.u32 s1, $0xD;
	s1 =	sshrl.u32 s1, $0x2  }
0xbd: {  	s3 =	sand.u32 $0x4000, s31;
	s1 =	sadd.s32 s1, s30  }
0xbe: {  	s0 =	sor.u32 s3, s0;
	s1 =	sshll.u32 s1, $0x11  }
0xbf: {  	s0 =	sor.u32 s1, s0  }
0xc0: {  	s0 =	sadd.s32 $0x8F2B, s0  }
0xc1: {  	[sflag:s0] =	ssyncadd.remote.s32 $0x1  }
0xc2: {  	_ =	sfence.sel $0xFFFF  }
0xc3: {  	[dreg:$0x0] =	wrdreg $0xFFFFFFFF;
	(pc) =	sbr.abs _section_cstart, $3  }
0xc4: {  	[dreg:$0x1] =	wrdreg $0xFFFFFFFF  }
0xc5: {  	_ =	task.clear_ibuf [dreg:s9], $0x2FFFF;
	_ =	strace $0x9FFFFFFF  }
0xc6: {  	(tm) =	ssettm $0x7FFFFFFF  }
0xc7: {  	_ =	shalt  }
tec
execute0_lowered:
.L_overlay_start_1:
0x0: {  	(tag) =	ssettag $0x1  }
0x1: {  	v0 =	vimm.s32 $0xEFCDAB89;
	v1 =	vimm.s32 $0x67452301  }
0x2: {  	vm0 =	vcmask $0xB08;
	vm1 =	vcmask $0x300;
	v2 =	vimm.s32 $0xDCFE98BA  }
0x3: {  	v3 =	vimm.s32 $0x54761032;
	v4 =	vimm.s32 $0x32107654;
	vm2 =	vcmask $0x700  }
0x4: {  	vm3 =	vcmask $0x3B38;
	vm4 =	vmmov $0xff;
	v0 =	vunpack.c.l.s4.s8 v0  }
0x5: {  	v1 =	vunpack.c.l.s4.s8 v1;
	vm0 =	vmor vm1, vm0;
	vm1 =	vcmask $0x1310  }
0x6: {  	s5 =	rddreg [dreg:$0x0];
	v2 =	vunpack.c.l.s4.s8 v2;
	v3 =	vunpack.c.l.s4.s8 v3;
	vm0 =	vmor vm0, vm1  }
0x7: {  	s4 =	rddreg [dreg:$0x1];
	vm1 =	vcmask $0x1B18;
	v0 =	vunpack.c.0.s8.s32 v0;
	v1 =	vunpack.c.0.s8.s32 v1  }
0x8: {  	s2 =	srdreg.scid;
	s1 =	rddreg [dreg:$0x2];
	v4 =	vunpack.c.l.s4.s8 v4;
	vm0 =	vmor vm0, vm1;
	vm1 =	vcmask $0x2320  }
0x9: {  	s0 =	stileid.u32;
	s7 =	rddreg [dreg:$0x3];
	vm0 =	vmor vm0, vm1;
	vm1 =	vcmask $0x2B28;
	v0 =	vcombine.low v1, v0  }
0xa: {  	s3 =	simm.s32 $0x0;
	s10 =	simm.s32 $0x10;
	s11 =	simm.s32 $0x4080;
	v1 =	vunpack.c.0.s8.s32 v2;
	v2 =	vunpack.c.0.s8.s32 v3;
	v3 =	vimm.s32 $0xBA98FEDC  }
0xb: {  	s12 =	simm.s32 $0x30;
	s13 =	simm.s32 $0x4880;
	s14 =	simm.s32 $0x20;
	vm0 =	vmor vm0, vm1;
	vm1 =	vcmask $0x3330;
	v3 =	vunpack.c.l.s4.s8 v3  }
0xc: {  	s15 =	simm.s32 $0x40;
	s16 =	simm.s32 $0x6080;
	s17 =	simm.s32 $0x60;
	vm0 =	vmor vm0, vm1;
	vm1 =	vcmask $0x1710;
	v1 =	vcombine.low v2, v1  }
0xd: {  	s18 =	simm.s32 $0x7080;
	s19 =	simm.s32 $0x2;
	s20 =	simm.s32 $0x1;
	vm1 =	vmor vm2, vm1;
	v2 =	vunpack.c.0.s8.s32 v3;
	v3 =	vunpack.c.0.s8.s32 v4  }
0xe: {  	s21 =	simm.s32 $0x8080;
	s22 =	simm.s32 $0x0;
	s6 =	sand.u32 $0x1, s2;
	vm2 =	vcmask $0x2720;
	vm0 =	vmor vm0, vm3;
	v4 =	vimm.s32 $0xFEDCBA98  }
0xf: {  	s8 =	sshll.u32 s0, $0x8;
	s2 =	rddreg [dreg:$0x4];
	s9 =	sshll.u32 s6, $0x7;
	v4 =	vunpack.c.l.s4.s8 v4;
	v2 =	vcombine.low v3, v2;
	v3 =	vimm.s32 $0x76543210  }
0x10: {  	[smem:$0x7FF] =	sst s3;
	s6 =	ssub.s32 $0x2, s6;
	s8 =	sor.u32 s9, s8;
	vm3 =	vcmask $0xF00;
	v0 =	vand.u32 $0xF, v0;
	v3 =	vunpack.c.l.s4.s8 v3  }
0x11: {  	_ =	strace $0x80000047;
	s30 =	sshrl.u32 s6, $0x1;
	s9 =	sshll.u32 s8, $0x4;
	vm1 =	vmor vm1, vm2;
	vm2 =	vcmask $0x3730;
	v4 =	vunpack.c.0.s8.s32 v4  }
0x12: {  	s31 =	sshrl.u32 s8, $0x3;
	s8 =	simm.s32 $0x80;
	s4 =	sadd.s32 s9, s4;
	vm1 =	vmor vm1, vm2;
	vm2 =	vcmask $0x2F20;
	v3 =	vunpack.c.0.s8.s32 v3  }
0x13: {  	s9 =	ssub.s32 s6, s30;
	s5 =	sadd.s32 s5, s31;
	s6 =	sadd.s32 s7, s31;
	v1 =	vand.u32 $0xF, v1;
	vm2 =	vmor vm3, vm2;
	v4 =	vand.u32 $0xF, v4  }
0x14: {  	s4 =	sadd.s32 $0x400, s4;
	s7 =	smax.u32 s9, $0x1;
	s9 =	simm.s32 $0x6;
	vm3 =	vmmov $0xfff;
	v2 =	vand.u32 $0xF, v2;
	v3 =	vcombine.low v4, v3  }
.LBB2_1:
0x15: {  	[tilespmem:s8], [sflag:$0x1] =	stream.linear.gather [hbm4b:s4+s3], $0x4000, $0x38;
	[tilespmem:$0x8100] =	vst v63  }
0x16: {  	_ = 	snop  }
0x17: {  	[tilespmem:s3], [sflag:$0x6] =	stream.linear.gather [hbm4b:s5+s3], $0x80, $0x38;
	[tilespmem:$0x8100] =	vst v63  }
0x18: {  	_ =	swait.ge [sflag:s9], $0x80  }
0x19: {  	[sflag:s9] =	ssyncset.done $0x0  }
0x1a: {  	[sflag:s9] =	ssyncadd.s32 $0xFFFFFF80  }
0x1b: {  	[tilespmem:s11], [sflag:$0x2] =	stream.indirect.gather [hbm4b:s1+s10], $0x80, s3, s10, $0xb8;
	[tilespmem:$0x8100] =	vst v63  }
0x1c: {  	_ = 	snop  }
0x1d: {  	[tilespmem:s13], [sflag:$0x3] =	stream.indirect.gather [hbm4b:s1+s12], $0x80, s10, s12, $0xb8;
	[tilespmem:$0x8100] =	vst v63  }
0x1e: {  	_ = 	snop  }
0x1f: {  	[tilespmem:s16], [sflag:$0x4] =	stream.indirect.gather [hbm4b:s1+s14], $0x80, s15, s14, $0xb8;
	[tilespmem:$0x8100] =	vst v63  }
0x20: {  	_ = 	snop  }
0x21: {  	[tilespmem:s18], [sflag:$0x5] =	stream.indirect.gather [hbm4b:s1+s14], $0x80, s17, s14, $0xb8;
	[tilespmem:$0x8100] =	vst v63  }
0x22: {  	_ =	swait.ge [sflag:s19], $0x800  }
0x23: {  	[sflag:s19] =	ssyncset.done $0x0  }
0x24: {  	[sflag:s19] =	ssyncadd.s32 $0xFFFFF800  }
0x25: {  	s23 =	simm.s32 $0xF;
	_ =	swait.ge [sflag:s20], $0x4000  }
0x26: {  	s24 =	simm.s32 $0x4480;
	s25 =	simm.s32 $0x480;
	[sflag:s20] =	ssyncset.done $0x0  }
0x27: {  	s26 =	simm.s32 $0x8080;
	s28 =	simm.s32 $0x0;
	[sflag:s20] =	ssyncadd.s32 $0xFFFFC000  }
.LBB2_2:
0x28: {  	p0 =	seq.s32 s28, $0x6  }
0x29: {  	s29 =	simm.s32 @p0 $0x5  }
0x2a: {  	p1 =	seq.s32 @!p0 s28, $0x4;
	_ =	swait.ge @p0 [sflag:s29], $0x1000  }
0x2b: {  	p2 =	por !p1, p0;
	p3 =	por p1, p0;
	[sflag:s29] =	ssyncset.done @p0 $0x0  }
0x2c: {  	p3 =	sne.s32 @!p3 s28, $0x1;
	[sflag:s29] =	ssyncadd.s32 @p0 $0xFFFFF000;
	s29 =	simm.s32 @!p2 $0x4  }
0x2d: {  	p1 =	por @!p0 p3, p1;
	_ =	swait.ge @!p2 [sflag:s29], $0x1000  }
0x2e: {  	p0 =	por p1, p0;
	[sflag:s29] =	ssyncset.done @!p2 $0x0  }
0x2f: {  	[sflag:s29] =	ssyncadd.s32 @!p2 $0xFFFFF000;
	s29 =	simm.s32 @!p0 $0x3  }
0x30: {  	_ =	swait.ge @!p0 [sflag:s29], $0x1800  }
0x31: {  	[sflag:s29] =	ssyncset.done @!p0 $0x0  }
0x32: {  	[sflag:s29] =	ssyncadd.s32 @!p0 $0xFFFFE800  }
0x33: {  	v4 =	vld [tilespmem:s24+$0xFFFFFC00]  }
0x34: {  	v5 =	vld [tilespmem:s24+$0xFFFFFC10]  }
0x35: {  	v6 =	vld [tilespmem:s24+$0xFFFFFC20]  }
0x36: {  	v7 =	vld [tilespmem:s24+$0xFFFFFC30]  }
0x37: {  	v8 =	vld [tilespmem:s24+$0xFFFFFC40]  }
0x38: {  	v9 =	vld [tilespmem:s24+$0xFFFFFC50]  }
0x39: {  	v10 =	vld [tilespmem:s24+$0xFFFFFC60]  }
0x3a: {  	v38 =	vld [tilespmem:s24+$0xFFFFFCA0]  }
0x3b: {  	v39 =	vld [tilespmem:s24+$0xFFFFFCB0]  }
0x3c: {  	v40 =	vld [tilespmem:s24+$0xFFFFFCC0]  }
0x3d: {  	v49 =	vld [tilespmem:s24+$0xFFFFFD40]  }
0x3e: {  	v11 =	vld [tilespmem:s24+$0xFFFFFC70]  }
0x3f: {  	v35 =	vld [tilespmem:s25+$0xFFFFFC00]  }
0x40: {  	v36 =	vld [tilespmem:s24+$0xFFFFFC80];
	v4 =	vmul.f32 $1.442695020e+00, v4;
	v5 =	vmul.f32 $1.442695020e+00, v5  }
0x41: {  	v37 =	vld [tilespmem:s24+$0xFFFFFC90];
	v41 =	vmul.f32 $1.442695020e+00, v38;
	v43 =	vmul.f32 $1.442695020e+00, v39  }
0x42: {  	v12 =	vld [tilespmem:s24+$0xFFFFFCF0];
	v45 =	vmul.f32 $1.442695020e+00, v40;
	v52 =	vmul.f32 $1.442695020e+00, v49  }
0x43: {  	v44 =	vld [tilespmem:s24+$0xFFFFFD00];
	(erf) = vpow2.f32 v4;
	v4 =	vmul.f32 $1.442695020e+00, v6  }
0x44: {  	v46 =	vld [tilespmem:s24+$0xFFFFFD10];
	(erf) = vpow2.f32 v5;
	v5 =	vmul.f32 $1.442695020e+00, v7  }
0x45: {  	v47 =	vld [tilespmem:s24+$0xFFFFFD20];
	(erf) = vpow2.f32 v4;
	v4 =	vmul.f32 $1.442695020e+00, v8  }
0x46: {  	v58 =	vld [tilespmem:s24+$0xFFFFFDC0];
	(erf) = vpow2.f32 v5;
	v5 =	vmul.f32 $1.442695020e+00, v9  }
0x47: {  	v48 =	vld [tilespmem:s24+$0xFFFFFD30];
	(erf) = vpow2.f32 v4;
	v4 =	vmul.f32 $1.442695020e+00, v10  }
0x48: {  	v20 =	vld [tilespmem:s24+$0xFFFFFD70];
	(erf) = vpow2.f32 v5;
	v5 =	vmul.f32 $1.442695020e+00, v11  }
0x49: {  	v7 =	vmul.f32 $1.442695020e+00, v36;
	(erf) = vpow2.f32 v4;
	v4 =	vld [tilespmem:s24+$0xFFFFFCD0]  }
0x4a: {  	v8 =	vmul.f32 $1.442695020e+00, v37;
	(erf) = vpow2.f32 v5;
	v5 =	vld [tilespmem:s24+$0xFFFFFCE0]  }
0x4b: {  	v62 =	vld [tilespmem:s25+$0xFFFFFC04];
	v31 =	vand.u32 $0xFFFFFF80, v35;
	v32 =	vmul.f32 $1.442695020e+00, v58;
	(erf) = vpow2.f32 v7  }
0x4c: {  	s29 =	sshll.u32 s23, $0x7;
	v6 =	vand.u32 $0x7F, v35;
	v35 =	vld [tilespmem:s25+$0xFFFFFC84];
	v10 =	vmul.f32 $1.442695020e+00, v44;
	v42 =	vpop (erf);
	(erf) = vpow2.f32 v8  }
0x4d: {  	v51 =	vld [tilespmem:s24+$0xFFFFFD80];
	s30 =	sadd.s32 $0xFFFFF880, s29;
	v11 =	vmul.f32 $1.442695020e+00, v46;
	v13 =	vpop (erf);
	(erf) = vpow2.f32 v41  }
0x4e: {  	v33 =	vld [tilespmem:s25+$0xFFFFFC80];
	v34 =	vadd.s32 s30, v31;
	v14 =	vpop (erf);
	(erf) = vpow2.f32 v43;
	v4 =	vmul.f32 $1.442695020e+00, v4  }
0x4f: {  	v53 =	vld [tilespmem:s24+$0xFFFFFD90];
	v6 =	vor.u32 v6, v34;
	v15 =	vpop (erf);
	(erf) = vpow2.f32 v45;
	v5 =	vmul.f32 $1.442695020e+00, v5  }
0x50: {  	v37 =	vand.u32 $0xFFFFFF80, v62;
	v41 =	vld [tilespmem:s25+$0xFFFFFD00];
	v16 =	vpop (erf);
	(erf) = vpow2.f32 v4;
	v4 =	vmul.f32 $1.442695020e+00, v12  }
0x51: {  	v46 =	vand.u32 $0xFFFFFF80, v35;
	v7 =	vmul.f32 $1.442695020e+00, v48;
	v17 =	vpop (erf);
	(erf) = vpow2.f32 v5;
	v5 =	vld [tilespmem:s24+$0xFFFFFD50]  }
0x52: {  	v8 =	vmul.f32 $1.442695020e+00, v47;
	v9 =	vadd.f32 v13, v42;
	v18 =	vpop (erf);
	(erf) = vpow2.f32 v4;
	v4 =	vld [tilespmem:s24+$0xFFFFFD60]  }
0x53: {  	v56 =	vld [tilespmem:s24+$0xFFFFFDB0];
	v45 =	vand.u32 $0xFFFFFF80, v33;
	v14 =	vadd.f32 v15, v14;
	v19 =	vpop (erf);
	(erf) = vpow2.f32 v10  }
0x54: {  	v44 =	vld [tilespmem:s25+$0xFFFFFD04];
	v12 =	vmul.f32 $1.442695020e+00, v53;
	v16 =	vadd.f32 v17, v16;
	v50 =	vpop (erf);
	(erf) = vpow2.f32 v11  }
0x55: {  	v54 =	vld [tilespmem:s24+$0xFFFFFDA0];
	s31 =	sadd.s32 $0xFFFFF900, s29;
	v9 =	vadd.f32 v14, v9;
	v11 =	vmul.f32 $1.442695020e+00, v51;
	v21 =	vpop (erf);
	(erf) = vpow2.f32 v8  }
0x56: {  	v17 =	vadd.s32 s31, v45;
	v22 =	vpop (erf);
	(erf) = vpow2.f32 v7;
	v5 =	vmul.f32 $1.442695020e+00, v5  }
0x57: {  	v49 =	vand.u32 $0xFFFFFF80, v41;
	v55 =	vpop (erf);
	(erf) = vpow2.f32 v52;
	v4 =	vmul.f32 $1.442695020e+00, v4  }
0x58: {  	v23 =	vld [tilespmem:s24+$0xFFFFFDF0];
	v18 =	vadd.f32 v19, v18;
	v57 =	vpop (erf);
	(erf) = vpow2.f32 v5;
	v5 =	vmul.f32 $1.442695020e+00, v20  }
0x59: {  	v51 =	vand.u32 $0xFFFFFF80, v44;
	v8 =	vmul.f32 $1.442695020e+00, v56;
	v59 =	vpop (erf);
	(erf) = vpow2.f32 v4;
	v4 =	vld [tilespmem:s24+$0xFFFFFDD0]  }
0x5a: {  	v7 =	vmul.f32 $1.442695020e+00, v54;
	v39 =	vadd.f32 v21, v50;
	v60 =	vpop (erf);
	(erf) = vpow2.f32 v5;
	v5 =	vld [tilespmem:s24+$0xFFFFFDE0]  }
0x5b: {  	v29 =	vld [tilespmem:s24+$0xFFFFFE10];
	v21 =	vand.u32 $0x7F, v41;
	v20 =	vand.u32 $0x7F, v33;
	v61 =	vpop (erf);
	(erf) = vpow2.f32 v11  }
0x5c: {  	v31 =	vld [tilespmem:s24+$0xFFFFFE20];
	v17 =	vor.u32 v20, v17;
	v42 =	vadd.f32 v59, v57;
	v63 =	vpop (erf);
	(erf) = vpow2.f32 v12  }
0x5d: {  	v34 =	vld [tilespmem:s24+$0xFFFFFE60];
	v11 =	vadd.f32 v18, v16;
	v16 =	vand.u32 $0x7F, v62;
	v24 =	vpop (erf);
	(erf) = vpow2.f32 v7  }
0x5e: {  	v12 =	vand.u32 $0x7F, v35;
	v35 =	vld [tilespmem:s24+$0xFFFFFE70];
	v25 =	vpop (erf);
	(erf) = vpow2.f32 v8;
	v4 =	vmul.f32 $1.442695020e+00, v4  }
0x5f: {  	v6 =	vld.idx.msk [tilespmem:v6+s11+$0x0], $0xffff;
	v14 =	vadd.f32 v61, v60;
	v26 =	vpop (erf);
	(erf) = vpow2.f32 v32;
	v5 =	vmul.f32 $1.442695020e+00, v5  }
0x60: {  	v33 =	vld [tilespmem:s24+$0xFFFFFE50];
	v9 =	vadd.f32 v11, v9;
	v36 =	vpop (erf);
	(erf) = vpow2.f32 v4;
	v4 =	vmul.f32 $1.442695020e+00, v23  }
0x61: {  	v15 =	vld [tilespmem:s25+$0xFFFFFD80];
	v11 =	vmul.f32 $1.442695020e+00, v31;
	v18 =	vadd.f32 v24, v63;
	v38 =	vpop (erf);
	(erf) = vpow2.f32 v5  }
0x62: {  	v61 =	vadd.f32 v14, v42;
	v42 =	vld [tilespmem:s24+$0xFFFFFEC0];
	v5 =	vadd.s32 s30, v37;
	v40 =	vpop (erf);
	(erf) = vpow2.f32 v4  }
0x63: {  	v31 =	vld [tilespmem:s24+$0xFFFFFF70];
	v48 =	vadd.f32 v26, v25;
	v41 =	vmul.f32 $1.442695020e+00, v35;
	v4 =	vor.u32 v16, v5;
	v43 =	vpop (erf)  }
0x64: {  	v17 =	vld.idx.msk [tilespmem:v17+s11+$0x0], $0xffff;
	v5 =	vadd.f32 v55, v22;
	v22 =	vadd.s32 s31, v46;
	v16 =	vand.u32 $0x7F, v44;
	v27 =	vpop (erf)  }
0x65: {  	v32 =	vld [tilespmem:s24+$0xFFFFFE30];
	s31 =	sadd.s32 $0xFFFFF980, s29;
	v7 =	vadd.f32 v38, v36;
	v18 =	vadd.f32 v48, v18;
	v38 =	vmul.f32 $1.442695020e+00, v33;
	v28 =	vpop (erf)  }
0x66: {  	v26 =	vld [tilespmem:s24+$0xFFFFFE00];
	v12 =	vor.u32 v12, v22;
	v22 =	vadd.s32 s31, v49;
	v5 =	vadd.f32 v5, v39;
	v47 =	vpop (erf)  }
0x67: {  	v37 =	vld [tilespmem:s24+$0xFFFFFE90];
	v53 =	vadd.s32 s31, v51;
	v48 =	vmul.f32 $1.442695020e+00, v42;
	v21 =	vor.u32 v21, v22;
	v50 =	vpop (erf)  }
0x68: {  	v42 =	vmul.f32 $1.442695020e+00, v31;
	v10 =	vadd.f32 v43, v40;
	v39 =	vld [tilespmem:s24+$0xFFFFFEA0];
	v5 =	vadd.f32 v61, v5;
	v52 =	vpop (erf)  }
0x69: {  	v55 =	vor.u32 v16, v53;
	v40 =	vld [tilespmem:s24+$0xFFFFFEB0];
	v58 =	vadd.f32 v28, v27;
	v28 =	vperm.xlane v9, v0;
	v54 =	vpop (erf)  }
0x6a: {  	v14 =	vmul.f32 $1.442695020e+00, v32;
	v53 =	vld [tilespmem:s24+$0xFFFFFF40];
	v32 =	vand.u32 $0xFFFFFF80, v15;
	v27 =	vperm.xlane v5, v0;
	v56 =	vpop (erf)  }
0x6b: {  	v7 =	vadd.f32 v10, v7;
	v19 =	vadd.f32 v50, v47;
	v5 =	vsel vm0, v28, v5;
	v50 =	vld [tilespmem:s24+$0xFFFFFF20];
	v57 =	vpop (erf)  }
0x6c: {  	v20 =	vld.idx.msk [tilespmem:v21+s11+$0x0], $0xffff;
	v59 =	vadd.f32 v54, v52;
	v9 =	vsel vm0, v9, v27;
	v16 =	vadd.f32 v57, v56  }
0x6d: {  	v7 =	vadd.f32 v7, v18;
	v21 =	vmul.f32 $1.442695020e+00, v29;
	v9 =	vadd.f32 v5, v9;
	v5 =	vld [tilespmem:s24+$0xFFFFFE40]  }
0x6e: {  	v4 =	vld.idx.msk [tilespmem:v4+s11+$0x0], $0xffff;
	v45 =	vmul.f32 $1.442695020e+00, v39;
	v60 =	vadd.f32 v19, v58;
	v16 =	vadd.f32 v16, v59  }
0x6f: {  	v36 =	vld [tilespmem:s24+$0xFFFFFE80];
	v15 =	vand.u32 $0x7F, v15;
	v46 =	vmul.f32 $1.442695020e+00, v40;
	v25 =	vperm.xlane v7, v0  }
0x70: {  	s31 =	sadd.s32 $0xFFFFFA00, s29;
	v47 =	vld [tilespmem:s24+$0xFFFFFF00];
	v58 =	vmul.f32 $1.442695020e+00, v53;
	v63 =	vadd.f32 v16, v60;
	v16 =	vmul.f32 $1.442695020e+00, v26  }
0x71: {  	v32 =	vadd.s32 s31, v32;
	v62 =	vld.idx.msk [tilespmem:v55+s11+$0x0], $0xffff;
	v8 =	vperm.xlane v9, v1;
	v55 =	vmul.f32 $1.442695020e+00, v50  }
0x72: {  	v15 =	vor.u32 v15, v32;
	v59 =	vld [tilespmem:s24+$0xFFFFFF90];
	v5 =	vmul.f32 $1.442695020e+00, v5;
	(erf) = vpow2.f32 v16  }
0x73: {  	v12 =	vld.idx.msk [tilespmem:v12+s11+$0x0], $0xffff;
	v4 =	vsel vm3, $0x0, v4;
	v24 =	vperm.xlane v63, v0;
	(erf) = vpow2.f32 v21  }
0x74: {  	v43 =	vld [tilespmem:s24+$0xFFFFFEE0];
	v4 =	vadd.f32 v4, v6;
	v16 =	vmul.f32 $1.442695020e+00, v36;
	(erf) = vpow2.f32 v11  }
0x75: {  	v10 =	vld [tilespmem:s25+$0xFFFFFD84];
	v30 =	vsel vm0, v25, v63;
	v21 =	vmul.f32 $1.442695020e+00, v47;
	(erf) = vpow2.f32 v14  }
0x76: {  	v52 =	vld [tilespmem:s24+$0xFFFFFF30];
	v7 =	vsel vm0, v7, v24;
	(erf) = vpow2.f32 v5;
	v5 =	vmul.f32 $1.442695020e+00, v34  }
0x77: {  	v23 =	vmul.f32 $1.442695020e+00, v59;
	v7 =	vadd.f32 v30, v7;
	v30 =	vld [tilespmem:s24+$0xFFFFFF60];
	(erf) = vpow2.f32 v38  }
0x78: {  	v56 =	vsel vm3, $0x0, v12;
	v11 =	vmul.f32 $1.442695020e+00, v37;
	(erf) = vpow2.f32 v5;
	v5 =	vld [tilespmem:s24+$0xFFFFFED0]  }
0x79: {  	v40 =	vld [tilespmem:s24+$0xFFFFFFB0];
	v60 =	vsel vm3, $0x0, v62;
	v14 =	vmul.f32 $1.442695020e+00, v43;
	(erf) = vpow2.f32 v41  }
0x7a: {  	v44 =	vld [tilespmem:s24+$0xFFFFFEF0];
	v6 =	vadd.f32 v60, v20;
	v18 =	vperm.xlane v7, v1;
	(erf) = vpow2.f32 v16  }
0x7b: {  	v47 =	vand.u32 $0xFFFFFF80, v10;
	v43 =	vld [tilespmem:s24+$0xFFFFFFC0];
	v16 =	vmul.f32 $1.442695020e+00, v52;
	v19 =	vpop (erf);
	(erf) = vpow2.f32 v11  }
0x7c: {  	v49 =	vld [tilespmem:s24+$0xFFFFFF10];
	v10 =	vand.u32 $0x7F, v10;
	v39 =	vmul.f32 $1.442695020e+00, v30;
	v24 =	vpop (erf);
	(erf) = vpow2.f32 v45  }
0x7d: {  	v60 =	vadd.s32 s31, v47;
	v52 =	vld [tilespmem:s25+$0xFFFFFE00];
	v25 =	vpop (erf);
	(erf) = vpow2.f32 v46;
	v5 =	vmul.f32 $1.442695020e+00, v5  }
0x7e: {  	v54 =	vld [tilespmem:s24+$0xFFFFFF50];
	v7 =	vsel vm1, v8, v7;
	v46 =	vmul.f32 $1.442695020e+00, v40;
	v51 =	vpop (erf);
	(erf) = vpow2.f32 v48  }
0x7f: {  	v36 =	vld [tilespmem:s24+$0xFFFFFFF0];
	v9 =	vsel vm1, v9, v18;
	v27 =	vpop (erf);
	(erf) = vpow2.f32 v5;
	v5 =	vmul.f32 $1.442695020e+00, v44  }
0x80: {  	v57 =	vld [tilespmem:s24+$0xFFFFFF80];
	v7 =	vadd.f32 v7, v9;
	v48 =	vmul.f32 $1.442695020e+00, v43;
	v28 =	vpop (erf);
	(erf) = vpow2.f32 v14  }
0x81: {  	v19 =	vadd.f32 v24, v19;
	v44 =	vld [tilespmem:s24+$0xFFFFFFD0];
	v29 =	vpop (erf);
	(erf) = vpow2.f32 v5;
	v5 =	vmul.f32 $1.442695020e+00, v49  }
0x82: {  	v62 =	vld [tilespmem:s24+$0xFFFFFFA0];
	v51 =	vadd.f32 v51, v25;
	v37 =	vand.u32 $0xFFFFFF80, v52;
	v22 =	vpop (erf);
	(erf) = vpow2.f32 v21  }
0x83: {  	v45 =	vld [tilespmem:s24+$0xFFFFFFE0];
	v40 =	vand.u32 $0x7F, v52;
	v14 =	vmul.f32 $1.442695020e+00, v54;
	v12 =	vpop (erf);
	(erf) = vpow2.f32 v5  }
0x84: {  	v54 =	vmul.f32 $1.442695020e+00, v36;
	v5 =	vadd.f32 v56, v17;
	v56 =	vld [tilespmem:s25+$0xFFFFFE04];
	v11 =	vpop (erf);
	(erf) = vpow2.f32 v55  }
0x85: {  	v21 =	vmul.f32 $1.442695020e+00, v57;
	v22 =	vadd.f32 v22, v29;
	v61 =	vpop (erf);
	(erf) = vpow2.f32 v16  }
0x86: {  	v17 =	vmul.f32 $1.442695020e+00, v44;
	v55 =	vadd.f32 v28, v27;
	v44 =	vld [tilespmem:s25+$0xFFFFFE84];
	v63 =	vpop (erf);
	(erf) = vpow2.f32 v58  }
0x87: {  	v16 =	vmul.f32 $1.442695020e+00, v62;
	v11 =	vadd.f32 v11, v12;
	v41 =	vpop (erf);
	(erf) = vpow2.f32 v14  }
0x88: {  	v14 =	vmul.f32 $1.442695020e+00, v45;
	v58 =	vadd.f32 v63, v61;
	v33 =	vpop (erf);
	(erf) = vpow2.f32 v39  }
0x89: {  	v27 =	vand.u32 $0x7F, v56;
	v34 =	vpop (erf);
	(erf) = vpow2.f32 v42;
	v61 =	vadd.f32 v33, v41  }
0x8a: {  	s31 =	sadd.s32 $0xFFFFFA80, s29;
	v11 =	vadd.f32 v58, v11;
	v41 =	vand.u32 $0xFFFFFF80, v56;
	v42 =	vld [tilespmem:s25+$0xFFFFFE80];
	v35 =	vpop (erf);
	(erf) = vpow2.f32 v21  }
0x8b: {  	v56 =	vld [tilespmem:s24+$0x0];
	v12 =	vand.u32 $0x7F, v44;
	v24 =	vadd.s32 s31, v41;
	v21 =	vpop (erf);
	(erf) = vpow2.f32 v23  }
0x8c: {  	v62 =	vadd.f32 v35, v34;
	v35 =	vadd.f32 v22, v55;
	v32 =	vpop (erf);
	(erf) = vpow2.f32 v16  }
0x8d: {  	v58 =	vld [tilespmem:s24+$0x10];
	v18 =	vor.u32 v27, v24;
	v16 =	vadd.f32 v51, v19;
	v49 =	vpop (erf);
	(erf) = vpow2.f32 v46  }
0x8e: {  	v41 =	vld [tilespmem:s24+$0x80];
	v38 =	vadd.f32 v62, v61;
	v21 =	vadd.f32 v32, v21;
	v50 =	vpop (erf);
	(erf) = vpow2.f32 v48  }
0x8f: {  	v51 =	vld [tilespmem:s25+$0xFFFFFF80];
	v16 =	vadd.f32 v35, v16;
	v52 =	vand.u32 $0xFFFFFF80, v42;
	v26 =	vand.u32 $0x7F, v42  }
0x90: {  	v46 =	vld [tilespmem:s25+$0xFFFFFF00];
	v30 =	vmul.f32 $1.442695020e+00, v56;
	v53 =	vpop (erf);
	(erf) = vpow2.f32 v17;
	v11 =	vadd.f32 v38, v11  }
0x91: {  	v62 =	vld [tilespmem:s24+$0x30];
	v23 =	vadd.f32 v50, v49;
	v57 =	vpop (erf);
	(erf) = vpow2.f32 v14;
	v14 =	vor.u32 v10, v60  }
0x92: {  	v10 =	vld.idx.msk [tilespmem:v15+s11+$0x0], $0xffff;
	v15 =	vadd.s32 s31, v37;
	v33 =	vperm.xlane v16, v0;
	v59 =	vpop (erf);
	(erf) = vpow2.f32 v54  }
0x93: {  	v48 =	vld [tilespmem:s25+$0xFFFFFF04];
	s31 =	sadd.s32 $0xFFFFFB00, s29;
	v15 =	vor.u32 v40, v15;
	v27 =	vperm.xlane v11, v0;
	v25 =	vadd.f32 v57, v53;
	v63 =	vpop (erf)  }
0x94: {  	v57 =	vadd.s32 s31, v52;
	v21 =	vadd.f32 v23, v21;
	v23 =	vmul.f32 $1.442695020e+00, v58;
	v36 =	vpop (erf)  }
0x95: {  	v60 =	vld [tilespmem:s24+$0x20];
	v28 =	vand.u32 $0x7F, v51;
	v61 =	vor.u32 v26, v57;
	v35 =	vand.u32 $0xFFFFFF80, v46;
	v39 =	vpop (erf)  }
0x96: {  	v55 =	vld [tilespmem:s25+$0xFFFFFF84];
	v19 =	vand.u32 $0x7F, v46;
	v40 =	vmul.f32 $1.442695020e+00, v62;
	v26 =	vmul.f32 $1.442695020e+00, v41;
	v43 =	vpop (erf)  }
0x97: {  	v42 =	vld [tilespmem:s24+$0x90];
	v11 =	vsel vm0, v33, v11;
	v13 =	vadd.f32 v63, v59;
	v16 =	vsel vm0, v16, v27;
	v45 =	vpop (erf)  }
0x98: {  	v37 =	vld [tilespmem:s24+$0x60];
	v59 =	vand.u32 $0xFFFFFF80, v44;
	v31 =	vand.u32 $0x7F, v48;
	v11 =	vadd.f32 v11, v16;
	v47 =	vpop (erf)  }
0x99: {  	v38 =	vld [tilespmem:s24+$0x70];
	v17 =	vadd.f32 v39, v36;
	v13 =	vadd.f32 v13, v25;
	v25 =	vadd.s32 s31, v59;
	v49 =	vpop (erf)  }
0x9a: {  	v63 =	vld [tilespmem:s24+$0x40];
	v22 =	vmul.f32 $1.442695020e+00, v60;
	v39 =	vand.u32 $0xFFFFFF80, v48;
	v12 =	vor.u32 v12, v25;
	v50 =	vpop (erf)  }
0x9b: {  	v44 =	vld [tilespmem:s24+$0xA0];
	s31 =	sadd.s32 $0xFFFFFB80, s29;
	(erf) = vpow2.f32 v30;
	v54 =	vadd.f32 v45, v43;
	v13 =	vadd.f32 v13, v21;
	v53 =	vpop (erf)  }
0x9c: {  	v36 =	vld [tilespmem:s24+$0x50];
	v30 =	vadd.s32 s31, v39;
	v24 =	vadd.f32 v49, v47;
	v20 =	vadd.f32 v53, v50  }
0x9d: {  	v46 =	vld [tilespmem:s24+$0xB0];
	v21 =	vadd.s32 s31, v35;
	(erf) = vpow2.f32 v23;
	v45 =	vmul.f32 $1.442695020e+00, v37  }
0x9e: {  	v48 =	vld [tilespmem:s24+$0xC0];
	(erf) = vpow2.f32 v22;
	v17 =	vadd.f32 v54, v17;
	v20 =	vadd.f32 v20, v24  }
0x9f: {  	v19 =	vor.u32 v19, v21;
	v21 =	vmul.f32 $1.442695020e+00, v38;
	v22 =	vmul.f32 $1.442695020e+00, v42  }
0xa0: {  	v52 =	vld [tilespmem:s24+$0xF0];
	v25 =	vmul.f32 $1.442695020e+00, v44;
	v17 =	vadd.f32 v20, v17;
	v20 =	vmul.f32 $1.442695020e+00, v63  }
0xa1: {  	v14 =	vld.idx.msk [tilespmem:v14+s11+$0x0], $0xffff;
	v30 =	vor.u32 v31, v30;
	(erf) = vpow2.f32 v40;
	v43 =	vmul.f32 $1.442695020e+00, v36  }
0xa2: {  	v58 =	vld.idx.msk [tilespmem:v61+s11+$0x0], $0xffff;
	v47 =	vand.u32 $0xFFFFFF80, v51;
	v54 =	vmul.f32 $1.442695020e+00, v46;
	(erf) = vpow2.f32 v20  }
0xa3: {  	s31 =	sadd.s32 $0xFFFFFC00, s29;
	v49 =	vld [tilespmem:s24+$0xD0];
	v51 =	vand.u32 $0xFFFFFF80, v55;
	v23 =	vmul.f32 $1.442695020e+00, v48;
	(erf) = vpow2.f32 v43  }
0xa4: {  	v34 =	vadd.s32 s31, v47;
	v36 =	vperm.xlane v13, v0;
	v50 =	vld [tilespmem:s24+$0xE0];
	(erf) = vpow2.f32 v45  }
0xa5: {  	v48 =	vperm.xlane v11, v1;
	v53 =	vand.u32 $0x7F, v55;
	v61 =	vld.idx.msk [tilespmem:v12+s11+$0x0], $0xffff;
	(erf) = vpow2.f32 v21  }
0xa6: {  	v55 =	vadd.s32 s31, v51;
	v59 =	vor.u32 v28, v34;
	(erf) = vpow2.f32 v26  }
0xa7: {  	v56 =	vor.u32 v53, v55;
	v34 =	vld.idx.msk [tilespmem:v30+s11+$0x0], $0xffff;
	v30 =	vperm.xlane v7, v2;
	v29 =	vpop (erf);
	(erf) = vpow2.f32 v22  }
0xa8: {  	v19 =	vld.idx.msk [tilespmem:v19+s11+$0x0], $0xffff;
	v63 =	vmul.f32 $1.442695020e+00, v52;
	v35 =	vpop (erf);
	(erf) = vpow2.f32 v25  }
0xa9: {  	v18 =	vld.idx.msk [tilespmem:v18+s11+$0x0], $0xffff;
	v14 =	vsel vm3, $0x0, v14;
	v57 =	vpop (erf);
	v20 =	vmul.f32 $1.442695020e+00, v49;
	(erf) = vpow2.f32 v54  }
0xaa: {  	v15 =	vld.idx.msk [tilespmem:v15+s11+$0x0], $0xffff;
	v8 =	vsel vm3, $0x0, v61;
	v60 =	vpop (erf);
	v21 =	vmul.f32 $1.442695020e+00, v50;
	(erf) = vpow2.f32 v23  }
0xab: {  	v32 =	vperm.xlane v17, v0;
	v40 =	vsel vm0, v36, v17;
	v62 =	vpop (erf);
	(erf) = vpow2.f32 v20  }
0xac: {  	v41 =	vld.idx.msk [tilespmem:v56+s11+$0x0], $0xffff;
	v9 =	vsel vm3, $0x0, v34;
	v17 =	vadd.f32 v8, v58;
	v37 =	vpop (erf);
	(erf) = vpow2.f32 v21  }
0xad: {  	v44 =	vld.idx.msk [tilespmem:v59+s11+$0x0], $0xffff;
	v56 =	vadd.f32 v35, v29;
	v8 =	vadd.f32 v9, v19;
	v38 =	vpop (erf);
	(erf) = vpow2.f32 v63  }
0xae: {  	v43 =	vsel vm3, $0x0, v18;
	v39 =	vsel vm0, v13, v32;
	v13 =	vadd.f32 v14, v10;
	v42 =	vpop (erf)  }
0xaf: {  	v14 =	vadd.f32 v43, v15;
	v12 =	vadd.f32 v40, v39;
	v19 =	vperm.xlane v8, v0;
	v45 =	vpop (erf)  }
0xb0: {  	v57 =	vadd.f32 v60, v57;
	v39 =	vld [tilespmem:s24+$0x140];
	v26 =	vperm.xlane v4, v0;
	v27 =	vperm.xlane v13, v0;
	v46 =	vpop (erf)  }
0xb1: {  	v29 =	vperm.xlane v14, v0;
	v47 =	vperm.xlane v12, v1;
	v53 =	vsel vm3, $0x0, v41;
	v41 =	vld [tilespmem:s24+$0x160];
	v49 =	vpop (erf)  }
0xb2: {  	v40 =	vld [tilespmem:s24+$0x150];
	v52 =	vsel vm1, v48, v12;
	v22 =	vperm.xlane v5, v0;
	v9 =	vadd.f32 v53, v44;
	v50 =	vpop (erf)  }
0xb3: {  	v25 =	vperm.xlane v17, v0;
	v51 =	vsel vm1, v11, v47;
	v23 =	vadd.f32 v37, v62;
	v62 =	vld [tilespmem:s24+$0x100];
	v54 =	vpop (erf)  }
0xb4: {  	v12 =	vadd.f32 v52, v51;
	v31 =	vperm.xlane v9, v0;
	v63 =	vld [tilespmem:s24+$0x110];
	v21 =	vadd.f32 v42, v38;
	v55 =	vpop (erf)  }
0xb5: {  	v44 =	vmul.f32 $1.442695020e+00, v39;
	v20 =	vperm.xlane v6, v0;
	v37 =	vld [tilespmem:s24+$0x120];
	v10 =	vadd.f32 v46, v45;
	v58 =	vpop (erf)  }
0xb6: {  	v48 =	vmul.f32 $1.442695020e+00, v41;
	v38 =	vld [tilespmem:s24+$0x130];
	v36 =	vadd.f32 v21, v23;
	v60 =	vadd.f32 v50, v49;
	v59 =	vpop (erf)  }
0xb7: {  	v42 =	vld [tilespmem:s24+$0x170];
	v23 =	vperm.xlane v12, v2;
	v11 =	vadd.f32 v55, v54;
	v61 =	vadd.f32 v59, v58  }
0xb8: {  	v43 =	vld [tilespmem:s24+$0x180];
	v46 =	vmul.f32 $1.442695020e+00, v40;
	v24 =	vmul.f32 $1.442695020e+00, v62  }
0xb9: {  	v28 =	vmul.f32 $1.442695020e+00, v63;
	v10 =	vadd.f32 v60, v10;
	v11 =	vadd.f32 v61, v11  }
0xba: {  	v15 =	vadd.f32 v57, v56;
	v47 =	vld [tilespmem:s24+$0x1A0];
	v21 =	vmul.f32 $1.442695020e+00, v37;
	(erf) = vpow2.f32 v24  }
0xbb: {  	v45 =	vld [tilespmem:s24+$0x190];
	(erf) = vpow2.f32 v28;
	v11 =	vadd.f32 v11, v10;
	v10 =	vmul.f32 $1.442695020e+00, v38  }
0xbc: {  	v52 =	vld [tilespmem:s24+$0x1D0];
	v15 =	vadd.f32 v36, v15;
	v50 =	vmul.f32 $1.442695020e+00, v42;
	(erf) = vpow2.f32 v21  }
0xbd: {  	v57 =	vld [tilespmem:s24+$0x200];
	v24 =	vmul.f32 $1.442695020e+00, v43;
	(erf) = vpow2.f32 v10  }
0xbe: {  	v49 =	vld [tilespmem:s24+$0x1B0];
	v16 =	vperm.xlane v15, v0;
	(erf) = vpow2.f32 v44  }
0xbf: {  	v51 =	vld [tilespmem:s24+$0x1C0];
	v55 =	vmul.f32 $1.442695020e+00, v47;
	(erf) = vpow2.f32 v46  }
0xc0: {  	v42 =	vld [tilespmem:s24+$0x270];
	v28 =	vmul.f32 $1.442695020e+00, v45;
	(erf) = vpow2.f32 v48  }
0xc1: {  	v53 =	vld [tilespmem:s24+$0x1E0];
	v21 =	vmul.f32 $1.442695020e+00, v52;
	(erf) = vpow2.f32 v50  }
0xc2: {  	v54 =	vld [tilespmem:s24+$0x1F0];
	v45 =	vmul.f32 $1.442695020e+00, v57;
	(erf) = vpow2.f32 v24  }
0xc3: {  	v59 =	vld [tilespmem:s24+$0x210];
	v56 =	vmul.f32 $1.442695020e+00, v49;
	v32 =	vpop (erf);
	(erf) = vpow2.f32 v28  }
0xc4: {  	v58 =	vmul.f32 $1.442695020e+00, v51;
	v36 =	vpop (erf);
	(erf) = vpow2.f32 v55  }
0xc5: {  	v60 =	vld [tilespmem:s24+$0x220];
	v51 =	vmul.f32 $1.442695020e+00, v42;
	v37 =	vpop (erf);
	(erf) = vpow2.f32 v56  }
0xc6: {  	v61 =	vld [tilespmem:s24+$0x230];
	v10 =	vmul.f32 $1.442695020e+00, v53;
	v38 =	vpop (erf);
	(erf) = vpow2.f32 v58  }
0xc7: {  	v63 =	vld [tilespmem:s24+$0x240];
	v62 =	vmul.f32 $1.442695020e+00, v54;
	v39 =	vpop (erf);
	(erf) = vpow2.f32 v21  }
0xc8: {  	v5 =	vsel vm0, v26, v5;
	v41 =	vld [tilespmem:s24+$0x250];
	v34 =	vmul.f32 $1.442695020e+00, v59;
	v40 =	vpop (erf);
	(erf) = vpow2.f32 v10  }
0xc9: {  	v4 =	vsel vm0, v4, v22;
	v18 =	vperm.xlane v11, v0;
	v46 =	vld [tilespmem:s24+$0x260];
	v33 =	vpop (erf);
	(erf) = vpow2.f32 v62  }
0xca: {  	v14 =	vsel vm0, v14, v25;
	v54 =	vld [tilespmem:s24+$0x2E0];
	v28 =	vmul.f32 $1.442695020e+00, v60;
	v22 =	vpop (erf);
	(erf) = vpow2.f32 v45  }
0xcb: {  	v9 =	vsel vm0, v19, v9;
	v47 =	vld [tilespmem:s24+$0x280];
	v24 =	vmul.f32 $1.442695020e+00, v61;
	v26 =	vpop (erf);
	(erf) = vpow2.f32 v34  }
0xcc: {  	v10 =	vadd.f32 v5, v4;
	v4 =	vmul.f32 $1.442695020e+00, v63;
	v5 =	vld [tilespmem:s24+$0x290];
	v43 =	vpop (erf);
	(erf) = vpow2.f32 v28  }
0xcd: {  	v6 =	vsel vm0, v6, v27;
	v49 =	vld [tilespmem:s24+$0x2A0];
	v48 =	vmul.f32 $1.442695020e+00, v41;
	v27 =	vpop (erf);
	(erf) = vpow2.f32 v24  }
0xce: {  	v13 =	vsel vm0, v20, v13;
	v50 =	vld [tilespmem:s24+$0x2B0];
	v20 =	vpop (erf);
	(erf) = vpow2.f32 v4;
	v4 =	vmul.f32 $1.442695020e+00, v46  }
0xcf: {  	v8 =	vsel vm0, v8, v31;
	v52 =	vld [tilespmem:s24+$0x2C0];
	v60 =	vmul.f32 $1.442695020e+00, v54;
	v35 =	vpop (erf);
	(erf) = vpow2.f32 v48  }
0xd0: {  	v7 =	vsel vm2, v7, v23;
	v53 =	vld [tilespmem:s24+$0x2D0];
	v34 =	vmul.f32 $1.442695020e+00, v47;
	v25 =	vpop (erf);
	(erf) = vpow2.f32 v4  }
0xd1: {  	v57 =	vld [tilespmem:s24+$0x300];
	v5 =	vmul.f32 $1.442695020e+00, v5;
	v4 =	vsel vm0, v29, v17;
	v17 =	vpop (erf);
	(erf) = vpow2.f32 v51  }
0xd2: {  	v55 =	vld [tilespmem:s24+$0x2F0];
	v56 =	vmul.f32 $1.442695020e+00, v49;
	v4 =	vadd.f32 v4, v14;
	v14 =	vpop (erf);
	(erf) = vpow2.f32 v34  }
0xd3: {  	v13 =	vadd.f32 v13, v6;
	v59 =	vld [tilespmem:s24+$0x320];
	v23 =	vpop (erf);
	(erf) = vpow2.f32 v5;
	v5 =	vmul.f32 $1.442695020e+00, v50  }
0xd4: {  	v12 =	vsel vm2, v30, v12;
	v58 =	vld [tilespmem:s24+$0x310];
	v24 =	vmul.f32 $1.442695020e+00, v52;
	v28 =	vpop (erf);
	(erf) = vpow2.f32 v56  }
0xd5: {  	v6 =	vadd.f32 v12, v7;
	v54 =	vld [tilespmem:s24+$0x3B0];
	v7 =	vpop (erf);
	(erf) = vpow2.f32 v5;
	v5 =	vmul.f32 $1.442695020e+00, v53  }
0xd6: {  	v42 =	vmul.f32 $1.442695020e+00, v57;
	v11 =	vsel vm0, v16, v11;
	v61 =	vld [tilespmem:s24+$0x330];
	v31 =	vpop (erf);
	(erf) = vpow2.f32 v24  }
0xd7: {  	v15 =	vsel vm0, v15, v18;
	v62 =	vld [tilespmem:s24+$0x340];
	v34 =	vmul.f32 $1.442695020e+00, v55;
	v19 =	vpop (erf);
	(erf) = vpow2.f32 v5  }
0xd8: {  	v12 =	vmul.f32 $1.442695020e+00, v59;
	v63 =	vld [tilespmem:s24+$0x350];
	v5 =	vadd.f32 v9, v8;
	v8 =	vpop (erf);
	(erf) = vpow2.f32 v60  }
0xd9: {  	v44 =	vld [tilespmem:s24+$0x360];
	v37 =	vadd.f32 v38, v37;
	v30 =	vmul.f32 $1.442695020e+00, v58;
	v18 =	vpop (erf);
	(erf) = vpow2.f32 v34  }
0xda: {  	v21 =	vmul.f32 $1.442695020e+00, v54;
	v39 =	vadd.f32 v40, v39;
	v45 =	vld [tilespmem:s24+$0x370];
	v16 =	vpop (erf);
	(erf) = vpow2.f32 v42  }
0xdb: {  	v47 =	vld [tilespmem:s24+$0x380];
	v46 =	vmul.f32 $1.442695020e+00, v61;
	v9 =	vadd.f32 v11, v15;
	v11 =	vpop (erf);
	(erf) = vpow2.f32 v30  }
0xdc: {  	v49 =	vmul.f32 $1.442695020e+00, v62;
	v48 =	vadd.f32 v36, v32;
	v50 =	vld [tilespmem:s24+$0x390];
	v32 =	vpop (erf);
	(erf) = vpow2.f32 v12  }
0xdd: {  	v22 =	vadd.f32 v22, v33;
	v52 =	vld [tilespmem:s24+$0x3A0];
	v51 =	vmul.f32 $1.442695020e+00, v63;
	v38 =	vpop (erf);
	(erf) = vpow2.f32 v46  }
0xde: {  	v62 =	vld [tilespmem:s24+$0x3F0];
	v53 =	vmul.f32 $1.442695020e+00, v44;
	v40 =	vpop (erf);
	(erf) = vpow2.f32 v49  }
0xdf: {  	v22 =	vadd.f32 v22, v39;
	v55 =	vmul.f32 $1.442695020e+00, v45;
	v56 =	vld [tilespmem:s24+$0x3C0];
	v33 =	vpop (erf);
	(erf) = vpow2.f32 v51  }
0xe0: {  	v58 =	vld [tilespmem:s24+$0x3D0];
	v26 =	vadd.f32 v43, v26;
	v29 =	vmul.f32 $1.442695020e+00, v47;
	v57 =	vpop (erf);
	(erf) = vpow2.f32 v53  }
0xe1: {  	v20 =	vadd.f32 v20, v27;
	v60 =	vld [tilespmem:s24+$0x3E0];
	v36 =	vmul.f32 $1.442695020e+00, v50;
	v59 =	vpop (erf);
	(erf) = vpow2.f32 v55  }
0xe2: {  	v25 =	vadd.f32 v25, v35;
	v24 =	vmul.f32 $1.442695020e+00, v52;
	v61 =	vpop (erf);
	(erf) = vpow2.f32 v29  }
0xe3: {  	v14 =	vadd.f32 v14, v17;
	v43 =	vmul.f32 $1.442695020e+00, v62;
	v27 =	vpop (erf);
	(erf) = vpow2.f32 v36  }
0xe4: {  	v20 =	vadd.f32 v20, v26;
	v34 =	vmul.f32 $1.442695020e+00, v56;
	v63 =	vpop (erf);
	(erf) = vpow2.f32 v24  }
0xe5: {  	v62 =	vld [tilespmem:s25+$0x80];
	v14 =	vadd.f32 v14, v25;
	v12 =	vmul.f32 $1.442695020e+00, v58;
	v17 =	vpop (erf);
	(erf) = vpow2.f32 v21  }
0xe6: {  	v23 =	vadd.f32 v28, v23;
	v15 =	vmul.f32 $1.442695020e+00, v60;
	v36 =	vpop (erf);
	(erf) = vpow2.f32 v34  }
0xe7: {  	v7 =	vadd.f32 v31, v7;
	v8 =	vadd.f32 v8, v19;
	v42 =	vpop (erf);
	(erf) = vpow2.f32 v12  }
0xe8: {  	v45 =	vld [tilespmem:s25+$0x0];
	v30 =	vadd.f32 v37, v48;
	v16 =	vadd.f32 v16, v18;
	v44 =	vpop (erf);
	(erf) = vpow2.f32 v15  }
0xe9: {  	v14 =	vadd.f32 v14, v20;
	v23 =	vadd.f32 v7, v23;
	v46 =	vpop (erf);
	(erf) = vpow2.f32 v43  }
0xea: {  	v54 =	vld [tilespmem:s25+$0x4];
	v41 =	vand.u32 $0xFFFFFF80, v62;
	v48 =	vadd.f32 v22, v30;
	v16 =	vadd.f32 v16, v8;
	v47 =	vpop (erf)  }
0xeb: {  	v49 =	vperm.xlane v13, v1;
	v53 =	vadd.f32 v32, v11;
	v55 =	vadd.f32 v40, v38;
	v50 =	vpop (erf)  }
0xec: {  	v51 =	vperm.xlane v10, v1;
	v57 =	vadd.f32 v57, v33;
	v58 =	vadd.f32 v61, v59;
	v52 =	vpop (erf)  }
0xed: {  	v60 =	vand.u32 $0xFFFFFF80, v45;
	v16 =	vadd.f32 v16, v23;
	v7 =	vsel vm1, v10, v49;
	v56 =	vpop (erf)  }
0xee: {  	s31 =	sadd.s32 $0xFFFFFC80, s29;
	v8 =	vsel vm1, v51, v13;
	v10 =	vadd.f32 v55, v53;
	v13 =	vadd.f32 v58, v57;
	v59 =	vpop (erf)  }
0xef: {  	v31 =	vadd.s32 s31, v60;
	v11 =	vand.u32 $0x7F, v54;
	v27 =	vadd.f32 v63, v27;
	v61 =	vpop (erf)  }
0xf0: {  	v49 =	vperm.xlane v16, v0;
	v17 =	vadd.f32 v36, v17;
	v10 =	vadd.f32 v13, v10;
	v63 =	vpop (erf)  }
0xf1: {  	v55 =	vperm.xlane v9, v1;
	v33 =	vadd.f32 v44, v42;
	v12 =	vadd.f32 v47, v46;
	v34 =	vpop (erf)  }
0xf2: {  	v36 =	vand.u32 $0xFFFFFF80, v54;
	v35 =	vadd.f32 v52, v50;
	v37 =	vadd.f32 v59, v56;
	v38 =	vpop (erf)  }
0xf3: {  	v15 =	vand.u32 $0x7F, v45;
	v39 =	vadd.f32 v63, v61;
	v40 =	vadd.f32 v38, v34  }
0xf4: {  	v20 =	vadd.s32 s31, v36;
	v17 =	vadd.f32 v17, v27;
	v12 =	vadd.f32 v12, v33  }
0xf5: {  	v60 =	vld [tilespmem:s25+$0x180];
	v11 =	vor.u32 v11, v20;
	v18 =	vadd.f32 v37, v35;
	v20 =	vadd.f32 v40, v39  }
0xf6: {  	v45 =	vperm.xlane v48, v0;
	v15 =	vor.u32 v15, v31;
	v43 =	vperm.xlane v14, v0  }
0xf7: {  	v32 =	vld [tilespmem:s25+$0x204];
	s31 =	sadd.s32 $0xFFFFFD00, s29;
	v42 =	vand.u32 $0x7F, v62;
	v12 =	vadd.f32 v12, v17;
	v46 =	vadd.f32 v20, v18  }
0xf8: {  	v44 =	vld [tilespmem:s25+$0x84];
	v24 =	vadd.s32 s31, v41;
	v47 =	vsel vm0, v48, v43;
	v48 =	vperm.xlane v10, v0  }
0xf9: {  	v14 =	vsel vm0, v45, v14;
	v51 =	vperm.xlane v12, v0;
	v50 =	vperm.xlane v46, v0  }
0xfa: {  	v31 =	vand.u32 $0xFFFFFF80, v60;
	v10 =	vsel vm0, v49, v10;
	v14 =	vadd.f32 v14, v47  }
0xfb: {  	v28 =	vld [tilespmem:s25+$0x200];
	v16 =	vsel vm0, v16, v48;
	v17 =	vsel vm0, v51, v46;
	v12 =	vsel vm0, v12, v50  }
0xfc: {  	v62 =	vld [tilespmem:s25+$0x184];
	v41 =	vperm.xlane v6, v3;
	v10 =	vadd.f32 v10, v16;
	v12 =	vadd.f32 v17, v12  }
0xfd: {  	v43 =	vand.u32 $0xFFFFFF80, v32;
	v52 =	vld [tilespmem:s25+$0x100];
	v53 =	vand.u32 $0xFFFFFF80, v44;
	v54 =	vperm.xlane v14, v1  }
0xfe: {  	v13 =	vand.u32 $0x7F, v44;
	v11 =	vld.idx.msk [tilespmem:v11+s11+$0x0], $0xffff;
	v58 =	vperm.xlane v10, v1;
	v57 =	vperm.xlane v12, v1  }
0xff: {  	v14 =	vsel vm1, v55, v14;
	v16 =	vand.u32 $0x7F, v60;
	v44 =	vand.u32 $0x7F, v32;
	v56 =	vld [tilespmem:s25+$0x104]  }
0x100: {  	v9 =	vsel vm1, v9, v54;
	v12 =	vsel vm1, v58, v12;
	v10 =	vsel vm1, v10, v57  }
0x101: {  	v54 =	vld [tilespmem:s25+$0x384];
	v9 =	vadd.f32 v14, v9;
	v63 =	vor.u32 v42, v24;
	v10 =	vadd.f32 v12, v10  }
0x102: {  	v14 =	vand.u32 $0x7F, v62;
	v42 =	vld [tilespmem:s25+$0x284];
	v59 =	vand.u32 $0xFFFFFF80, v52;
	v25 =	vand.u32 $0x7F, v52  }
0x103: {  	v30 =	vperm.xlane v9, v2;
	v34 =	vand.u32 $0xFFFFFF80, v62;
	v29 =	vperm.xlane v10, v2  }
0x104: {  	v38 =	vand.u32 $0xFFFFFF80, v28;
	v11 =	vsel vm3, $0x0, v11;
	v27 =	vand.u32 $0xFFFFFF80, v56  }
0x105: {  	v19 =	vand.u32 $0x7F, v56;
	v10 =	vsel vm2, v30, v10;
	v9 =	vsel vm2, v9, v29  }
0x106: {  	v62 =	vand.u32 $0xFFFFFF80, v54;
	v18 =	vadd.s32 s31, v53;
	s31 =	sadd.s32 $0xFFFFFD80, s29;
	v9 =	vadd.f32 v10, v9  }
0x107: {  	v39 =	vld [tilespmem:s25+$0x280];
	v20 =	vand.u32 $0x7F, v28;
	v53 =	vand.u32 $0xFFFFFF80, v42;
	v61 =	vadd.s32 s31, v59  }
0x108: {  	v13 =	vor.u32 v13, v18;
	v18 =	vadd.s32 s31, v27;
	s31 =	sadd.s32 $0xFFFFFE00, s29;
	v40 =	vperm.xlane v9, v3  }
0x109: {  	v49 =	vld [tilespmem:s25+$0x300];
	v33 =	vadd.s32 s31, v31;
	v36 =	vor.u32 v19, v18;
	v37 =	vadd.s32 s31, v34  }
0x10a: {  	s31 =	sadd.s32 $0xFFFFFE80, s29;
	v16 =	vor.u32 v16, v33;
	v9 =	vsel vm4, v41, v9;
	v6 =	vsel vm4, v6, v40  }
0x10b: {  	v19 =	vadd.s32 s31, v38;
	v45 =	vadd.s32 s31, v43;
	v6 =	vadd.f32 v9, v6  }
0x10c: {  	v35 =	vld.idx.msk [tilespmem:v15+s11+$0x0], $0xffff;
	v46 =	vor.u32 v14, v37;
	v21 =	vand.u32 $0x7F, v39;
	v47 =	vor.u32 v20, v19  }
0x10d: {  	v51 =	vld [tilespmem:s25+$0x304];
	s31 =	sadd.s32 $0xFFFFFF00, s29;
	v48 =	vor.u32 v44, v45;
	v50 =	vand.u32 $0xFFFFFF80, v39;
	v52 =	vand.u32 $0x7FFFFF, v6  }
0x10e: {  	v24 =	vadd.s32 s31, v53;
	v19 =	vand.u32 $0x7F, v49;
	v13 =	vld.idx.msk [tilespmem:v13+s11+$0x0], $0xffff;
	v23 =	vor.u32 $0x3F800000, v52  }
0x10f: {  	v17 =	vor.u32 v25, v61;
	v20 =	vadd.s32 s31, v50;
	v15 =	vld.idx.msk [tilespmem:v36+s11+$0x0], $0xffff;
	v55 =	vmul.f32 $5.000000000e-01, v23  }
0x110: {  	v25 =	vand.u32 $0x7F, v42;
	v20 =	vor.u32 v21, v20;
	v57 =	vld [tilespmem:s25+$0x380];
	vm5 =	vgt.f32 v23, $1.414213540e+00  }
0x111: {  	s31 =	sadd.s32 $0xFFFFFF80, s29;
	v56 =	vor.u32 v25, v24;
	v58 =	vand.u32 $0xFFFFFF80, v49;
	v16 =	vld.idx.msk [tilespmem:v16+s11+$0x0], $0xffff;
	v23 =	vsel vm5, v55, v23  }
0x112: {  	v59 =	vand.u32 $0xFFFFFF80, v51;
	v25 =	vadd.s32 s31, v58;
	v14 =	vld.idx.msk [tilespmem:v47+s11+$0x0], $0xffff;
	v60 =	vadd.f32 $1.000000000e+00, v23  }
0x113: {  	v22 =	vand.u32 $0x7F, v51;
	v61 =	vadd.s32 s31, v59;
	v19 =	vor.u32 v19, v25;
	v18 =	vld.idx.msk [tilespmem:v48+s11+$0x0], $0xffff  }
0x114: {  	v26 =	vand.u32 $0x7F, v54;
	v22 =	vor.u32 v22, v61;
	v12 =	vld.idx.msk [tilespmem:v63+s11+$0x0], $0xffff;
	(erf) = vrcp.f32 v60  }
0x115: {  	v31 =	vadd.f32 v11, v35;
	v25 =	vadd.s32 s29, v62;
	v17 =	vld.idx.msk [tilespmem:v17+s11+$0x0], $0xffff;
	v63 =	vand.u32 $0xFFFFFF80, v57  }
0x116: {  	v25 =	vor.u32 v26, v25;
	v20 =	vld.idx.msk [tilespmem:v20+s11+$0x0], $0xffff;
	v24 =	vand.u32 $0x7F, v57;
	v28 =	vadd.s32 s29, v63  }
0x117: {  	v21 =	vld.idx.msk [tilespmem:v56+s11+$0x0], $0xffff;
	v24 =	vor.u32 v24, v28  }
0x118: {  	v7 =	vadd.f32 v8, v7;
	v35 =	vperm.xlane v31, v0;
	v30 =	vperm.xlane v4, v1;
	v32 =	vld.idx.msk [tilespmem:v19+s11+$0x0], $0xffff  }
0x119: {  	v13 =	vsel vm3, $0x0, v13;
	v37 =	vsel vm3, $0x0, v15;
	v29 =	vperm.xlane v5, v1;
	v34 =	vld.idx.msk [tilespmem:v22+s11+$0x0], $0xffff  }
0x11a: {  	v5 =	vsel vm1, v30, v5;
	v18 =	vsel vm3, $0x0, v18;
	v12 =	vadd.f32 v13, v12;
	v9 =	vld.idx.msk [tilespmem:v46+s11+$0x0], $0xffff  }
0x11b: {  	v36 =	vld.idx.msk [tilespmem:v25+s11+$0x0], $0xffff;
	v11 =	vadd.f32 v37, v17;
	v14 =	vadd.f32 v18, v14;
	v4 =	vsel vm1, v4, v29  }
0x11c: {  	v21 =	vsel vm3, $0x0, v21;
	v33 =	vperm.xlane v12, v0;
	v38 =	vld.idx.msk [tilespmem:v24+s11+$0x0], $0xffff;
	v39 =	vadd.f32 $-1.000000000e+00, v23  }
0x11d: {  	v4 =	vadd.f32 v5, v4;
	v42 =	vperm.xlane v11, v0;
	v43 =	vadd.f32 v21, v20;
	v41 =	vpop (erf)  }
0x11e: {  	v8 =	vsel vm0, v31, v33;
	v13 =	vsel vm3, $0x0, v34;
	v17 =	vmul.f32 v41, v39  }
0x11f: {  	v21 =	vperm.xlane v43, v0;
	v10 =	vadd.f32 v13, v32;
	v9 =	vsel vm3, $0x0, v9  }
0x120: {  	v5 =	vadd.f32 v9, v16;
	v16 =	vsel vm3, $0x0, v36;
	v44 =	vmul.f32 v17, v17  }
0x121: {  	v46 =	vperm.xlane v14, v0;
	v48 =	vperm.xlane v10, v0;
	v45 =	vadd.f32 v16, v38  }
0x122: {  	v49 =	vsel vm0, v14, v21;
	v40 =	vperm.xlane v5, v0;
	v47 =	vmul.f32 $1.111111120e-01, v44  }
0x123: {  	v9 =	vsel vm0, v35, v12;
	v12 =	vsel vm0, v46, v43;
	v16 =	vperm.xlane v45, v0  }
0x124: {  	v5 =	vsel vm0, v42, v5;
	v11 =	vsel vm0, v11, v40;
	v50 =	vadd.f32 $1.428571490e-01, v47  }
0x125: {  	v13 =	vsel vm0, v48, v45;
	v5 =	vadd.f32 v5, v11;
	v10 =	vsel vm0, v10, v16  }
0x126: {  	v11 =	vadd.f32 v12, v49;
	v10 =	vadd.f32 v13, v10;
	v51 =	vmul.f32 v50, v44  }
0x127: {  	v56 =	vperm.xlane v7, v2;
	v8 =	vadd.f32 v9, v8;
	v53 =	vperm.xlane v5, v1  }
0x128: {  	v55 =	vperm.xlane v11, v1;
	v54 =	vperm.xlane v10, v1;
	v12 =	vadd.f32 $2.000000030e-01, v51  }
0x129: {  	v6 =	vshra.s32 v6, $0x17;
	v9 =	vsel vm1, v8, v53;
	v8 =	vperm.xlane v8, v1  }
0x12a: {  	v10 =	vsel vm1, v55, v10;
	v11 =	vsel vm1, v11, v54;
	v12 =	vmul.f32 v12, v44  }
0x12b: {  	v52 =	vperm.xlane v4, v2;
	v5 =	vsel vm1, v8, v5;
	v57 =	vadd.f32 v10, v11  }
0x12c: {  	v6 =	vadd.s32 $0xFFFFFF81, v6;
	v5 =	vadd.f32 v5, v9;
	v58 =	vadd.f32 $3.333333430e-01, v12  }
0x12d: {  	v6 =	vcvt.s32.f32 v6;
	v10 =	vperm.xlane v57, v2  }
0x12e: {  	v4 =	vsel vm2, v56, v4;
	v59 =	vperm.xlane v5, v2;
	v9 =	vmul.f32 v58, v44  }
0x12f: {  	v7 =	vsel vm2, v7, v52;
	v60 =	vadd.f32 $1.000000000e+00, v6;
	v5 =	vsel vm2, v5, v10  }
0x130: {  	v61 =	vadd.f32 v17, v17;
	v8 =	vsel vm2, v59, v57;
	v9 =	vadd.f32 $1.000000000e+00, v9  }
0x131: {  	v4 =	vadd.f32 v4, v7;
	v6 =	vsel vm5, v60, v6;
	v5 =	vadd.f32 v8, v5  }
0x132: {  	v6 =	vmul.f32 $6.931471820e-01, v6;
	v62 =	vmul.f32 v9, v61  }
0x133: {  	v63 =	vperm.xlane v4, v3;
	v8 =	vperm.xlane v5, v3  }
0x134: {  	s23 =	sadd.s32 $0x10, s23;
	v6 =	vadd.f32 v62, v6  }
0x135: {  	p0 =	sne.s32 s23, $0x8F;
	v5 =	vsel vm4, v63, v5;
	v4 =	vsel vm4, v4, v8  }
.Ltmp0:
0x136: {  	v4 =	vadd.f32 v5, v4;
	v5 =	vmul.f32 $-2.000000000e+01, v6;
	(pc) =	sbr.rel @p0 .LBB2_2-.Ltmp0, $4  }
0x137: {  	_ = 	snop  }
0x138: {  	v4 =	vadd.f32 v5, v4  }
0x139: {  	s28 =	sadd.s32 $0x1, s28  }
0x13a: {  	s24 =	sadd.s32 $0x800, s24;
	s25 =	sadd.s32 $0x800, s25;
	[tilespmem:s26+$0x0] =	vst v4;
	s26 =	sadd.s32 $0x10, s26  }
0x13b: {  	s22 =	sadd.s32 $0x1, s22  }
0x13c: {  	p0 =	sne.s32 s22, s7  }
.Ltmp1:
0x13d: {  	_ = 	snop;
	(pc) =	sbr.rel @p0 .LBB2_1-.Ltmp1, $4  }
0x13e: {  	[hbm4b:s6+s3] =	stream.linear.scatter [tilespmem:s21], [sflag:$0x6], $0x80, $0x38;
	[tilespmem:$0x8100] =	vst v63  }
0x13f: {  	_ =	swait.ge [sflag:s9], $0x80  }
0x140: {  	[sflag:s9] =	ssyncset.done $0x0  }
0x141: {  	[sflag:s9] =	ssyncadd.s32 $0xFFFFFF80  }
0x142: {  	_ =	sfence.sel $0x180000  }
0x143: {  	[bflag:$0x0] =	sbarrier.arrive $0xFFFF  }
0x144: {  	p0 =	sne.s32 s0, $0x0;
	_ =	strace $0x90000047  }
0x145: {  	s0 =	sadd.s32 @!p0 $0x100000, s2;
	[bflag:$0x2] =	sbarrier.arrive $0xFFFF  }
0x146: {  	[sflag:s0] =	ssyncadd.tile.s32 @!p0 $0x1;
	_ =	shalt  }
.Lfunc_end2:
_tile_overlayer_lowered:
.L_overlay_start_2:
0x147: {  	(tag) =	ssettag $0x2  }
0x148: {  	s0 =	rddreg [dreg:$0x0];
	s2 =	stileid.u32  }
0x149: {  	s1 =	rddreg [dreg:$0x1];
	p0 =	sne.s32 s2, $0x0  }
0x14a: {  	s3 =	rddreg [dreg:$0x2];
	[bflag:$0x3] =	sbarrier.arrive $0xFFFF;
	s2 =	simm.s32 @!p0 $0x1C06  }
0x14b: {  	[timem:s3], [sflag:s2] =	dma.local @!p0 [hbm:s0], s1  }
0x14c: {  	s0 =	simm.s32 @!p0 $0x6  }
0x14d: {  	_ =	swait.ge @!p0 [sflag:s0], s1  }
0x14e: {  	s1 =	ssub.s32 @!p0 $0x0, s1;
	[sflag:s0] =	ssyncset.done @!p0 $0x0  }
0x14f: {  	[sflag:s0] =	ssyncadd.s32 @!p0 s1  }
0x150: {  	[bflag:$0x3] =	sbarrier.arrive $0xFFFF  }
0x151: {  	_ =	shalt  }

</sc_bundles>
